<compile_context>
chip_gen: v7x
topology: tpu7x:2x2x1
jax: 0.10.2.dev20260603
libtpu: 0.0.44.dev20260713+nightly
codegen_flags: <defaults>
</compile_context>

<pallas_src>
import functools

import jax
import jax.numpy as jnp
from jax import lax
from jax.experimental import pallas as pl
from jax.experimental.pallas import tpu as pltpu
from jax.experimental.pallas import tpu_sc as plsc

VOCAB = 100000
ENC_DIM = 128
OUT_DIM = 256

_ROWS_PER_BLOCK = 10000


def _proj_body(emb_ref, w_ref, out_ref):
    out_ref[...] = lax.dot_general(
        emb_ref[...], w_ref[...],
        dimension_numbers=(((1,), (1,)), ((), ())),
        preferred_element_type=jnp.float32,
    )


def _project_table(emb_table, w_out):
    n_blocks = VOCAB // _ROWS_PER_BLOCK
    return pl.pallas_call(
        _proj_body,
        grid=(n_blocks,),
        in_specs=[
            pl.BlockSpec((_ROWS_PER_BLOCK, ENC_DIM), lambda i: (i, 0)),
            pl.BlockSpec((OUT_DIM, ENC_DIM), lambda i: (0, 0)),
        ],
        out_specs=pl.BlockSpec((_ROWS_PER_BLOCK, OUT_DIM), lambda i: (i, 0)),
        out_shape=jax.ShapeDtypeStruct((VOCAB, OUT_DIM), jnp.float32),
    )(emb_table, w_out)


_CHUNK = 128


def _make_sc_gather(total_rows):
    info = plsc.get_sparse_core_info()
    nc, ns = info.num_cores, info.num_subcores
    nw = nc * ns
    assert total_rows % (nw * _CHUNK) == 0
    rows_per_w = total_rows // nw
    chunks_per_w = rows_per_w // _CHUNK

    mesh = plsc.VectorSubcoreMesh(core_axis_name="c", subcore_axis_name="s")

    _NBUF = 3
    n_main = chunks_per_w - (chunks_per_w % _NBUF)

    @functools.partial(
        pl.kernel,
        mesh=mesh,
        out_type=jax.ShapeDtypeStruct((total_rows, OUT_DIM), jnp.float32),
        scratch_types=[
            pltpu.VMEM((rows_per_w,), jnp.int32),
            [pltpu.VMEM((_CHUNK, OUT_DIM), jnp.float32)] * _NBUF,
            [pltpu.SemaphoreType.DMA] * _NBUF,
            [pltpu.SemaphoreType.DMA] * _NBUF,
        ],
    )
    def sc_gather(p_hbm, idx_hbm, out_hbm, idx_v, bufs, gsems, wsems):
        wid = lax.axis_index("s") * nc + lax.axis_index("c")
        base = wid * rows_per_w
        pltpu.sync_copy(idx_hbm.at[pl.ds(base, rows_per_w)], idx_v)

        def gather(g, b):
            pltpu.async_copy(
                p_hbm.at[idx_v.at[pl.ds(g * _CHUNK, _CHUNK)]], bufs[b], gsems[b]
            )

        def wait_gather(g, b):
            pltpu.make_async_copy(
                p_hbm.at[idx_v.at[pl.ds(g * _CHUNK, _CHUNK)]], bufs[b], gsems[b]
            ).wait()

        def write(g, b):
            pltpu.async_copy(
                bufs[b], out_hbm.at[pl.ds(base + g * _CHUNK, _CHUNK)], wsems[b]
            )

        def wait_write(g, b):
            pltpu.make_async_copy(
                bufs[b], out_hbm.at[pl.ds(base + g * _CHUNK, _CHUNK)], wsems[b]
            ).wait()

        for b in range(_NBUF - 1):
            gather(b, b)

        def body(t, carry):
            for b in range(_NBUF):
                g = _NBUF * t + b

                @pl.when(g >= 1)
                def _():
                    wait_write(g - 1, (b - 1) % _NBUF)

                @pl.when(g + _NBUF - 1 < chunks_per_w)
                def _():
                    gather(g + _NBUF - 1, (b - 1) % _NBUF)

                wait_gather(g, b)
                write(g, b)
            return carry

        lax.fori_loop(0, n_main // _NBUF, body, 0)
        for g in range(n_main, chunks_per_w):
            b = g % _NBUF
            wait_write(g - 1, (b - 1) % _NBUF)
            wait_gather(g, b)
            write(g, b)
        wait_write(chunks_per_w - 1, (chunks_per_w - 1) % _NBUF)

    return sc_gather, nw, chunks_per_w


def kernel(operation_ids, emb_table, W_out):
    b, n = operation_ids.shape
    total = b * n
    proj = _project_table(emb_table, W_out)
    sc_gather, nw, chunks_per_w = _make_sc_gather(total)
    out_flat = sc_gather(proj, operation_ids.reshape(total))
    return out_flat.reshape(b, n, OUT_DIM)

# --- scband reference (transcript-rebuilt; emitter-appended) ---
"""Pipeline reference for scband-discrete-encoder-78176994722640 (READ-ONLY COPY).

The authoritative reference and input builder live on the scoring server;
editing this copy changes nothing except your own understanding.
"""

import jax, jax.numpy as jnp
import numpy as np

B, N = 4096, 200
VOCAB = 100000
ENC_DIM = 128
OUT_DIM = 256


def setup_inputs(seed: int = 0) -> dict:
    key = jax.random.key(seed)
    k1, k2, k3 = jax.random.split(key, 3)
    operation_ids = jax.random.randint(k1, (B, N), 0, VOCAB, dtype=jnp.int32)
    emb_table = jax.random.normal(k2, (VOCAB, ENC_DIM), dtype=jnp.float32) * 0.02
    # torch nn.Linear(native_dim=128 -> 256, bias=False): weight shape (out, in)
    W_out = jax.random.normal(k3, (OUT_DIM, ENC_DIM), dtype=jnp.float32) * (1.0 / np.sqrt(ENC_DIM))
    return {"operation_ids": operation_ids, "emb_table": emb_table, "W_out": W_out}


def reference(operation_ids, emb_table, W_out):
    # DiscreteEncoder with encoding_type='embedding':
    #   x = Embedding(operation_ids)  -> (B, N, encoding_dim)
    #   x = proj_out(x)               -> (B, N, output_dim)   (Linear, bias=False)
    x = jnp.take(emb_table, operation_ids, axis=0)  # gather: (B, N, ENC_DIM)
    out = x @ W_out.T                               # (B, N, OUT_DIM)
    return out

if __name__ == "__main__":
    import jax
    _d = setup_inputs()
    print(jax.jit(kernel)(*tuple(_d.values())))

</pallas_src>

<mosaic_0001>
#map = affine_map<(d0, d1) -> (0, 0)>
#map1 = affine_map<(d0, d1) -> (0)>
module attributes {stable_mosaic.version = 14 : i64} {
  func.func @sc_gather(%arg0: i32, %arg1: i32, %arg2: memref<100000x256xf32, #tpu.memory_space<hbm>>, %arg3: memref<819200xi32, #tpu.memory_space<hbm>>, %arg4: memref<819200x256xf32, #tpu.memory_space<hbm>>, %arg5: memref<25600xi32, #tpu.memory_space<vmem>>, %arg6: memref<128x256xf32, #tpu.memory_space<vmem>>, %arg7: memref<128x256xf32, #tpu.memory_space<vmem>>, %arg8: memref<128x256xf32, #tpu.memory_space<vmem>>, %arg9: memref<!tpu.dma_semaphore, #tpu.memory_space<semaphore_mem>>, %arg10: memref<!tpu.dma_semaphore, #tpu.memory_space<semaphore_mem>>, %arg11: memref<!tpu.dma_semaphore, #tpu.memory_space<semaphore_mem>>, %arg12: memref<!tpu.dma_semaphore, #tpu.memory_space<semaphore_mem>>, %arg13: memref<!tpu.dma_semaphore, #tpu.memory_space<semaphore_mem>>, %arg14: memref<!tpu.dma_semaphore, #tpu.memory_space<semaphore_mem>>) attributes {dimension_semantics = [#tpu.dimension_semantics<core_parallel>, #tpu.dimension_semantics<subcore_parallel>], iteration_bounds = array<i64: 2, 16>, scalar_prefetch = 0 : i64, scratch_operands = 10 : i64, tpu.core_type = #tpu.core_type<sc_vector_subcore>, window_params = [{transform_indices = #map}, {transform_indices = #map1}, {transform_indices = #map}]} {
    %mul3A = arith.constant 2 : i32
    %mul3A_0 = arith.muli %arg1, %mul3A : i32
    %add3A = arith.addi %mul3A_0, %arg0 : i32
    %mul3A_1 = arith.constant 25600 : i32
    %mul3A_2 = arith.muli %add3A, %mul3A_1 : i32
    "tpu.region"() ({
      %run_scoped3A = tpu.sem_alloc : memref<!tpu.dma_semaphore, #tpu.memory_space<semaphore_mem>>
      %dma_start3A_56 = tpu.memref_slice %arg3[%mul3A_2] : memref<819200xi32, #tpu.memory_space<hbm>> -> memref<25600xi32, #tpu.memory_space<hbm>>
      %dma_start3A_57 = tpu.memref_slice %arg3[%mul3A_2] : memref<819200xi32, #tpu.memory_space<hbm>> -> memref<25600xi32, #tpu.memory_space<hbm>>
      tpu.enqueue_dma source(%dma_start3A_57 : memref<25600xi32, #tpu.memory_space<hbm>>) target(%arg5 : memref<25600xi32, #tpu.memory_space<vmem>>) target_semaphore(%run_scoped3A : memref<!tpu.dma_semaphore, #tpu.memory_space<semaphore_mem>>)
      %dma_wait3A_58 = tpu.memref_slice %arg3[%mul3A_2] : memref<819200xi32, #tpu.memory_space<hbm>> -> memref<25600xi32, #tpu.memory_space<hbm>>
      %dma_wait3A_59 = tpu.memref_slice %arg3[%mul3A_2] : memref<819200xi32, #tpu.memory_space<hbm>> -> memref<25600xi32, #tpu.memory_space<hbm>>
      tpu.wait_dma2 semaphore(%run_scoped3A : memref<!tpu.dma_semaphore, #tpu.memory_space<semaphore_mem>>) src(%dma_wait3A_59 : memref<25600xi32, #tpu.memory_space<hbm>>) dst(%arg5 : memref<25600xi32, #tpu.memory_space<vmem>>)
      tpu.yield
    }) : () -> ()
    %dma_start3A = arith.constant 0 : i32
    %dma_start3A_3 = tpu.memref_slice %arg5[%dma_start3A] : memref<25600xi32, #tpu.memory_space<vmem>> -> memref<128xi32, #tpu.memory_space<vmem>>
    %dma_start3A_4 = arith.constant 0 : i32
    %dma_start3A_5 = arith.constant 0 : i32
    %dma_start3A_6 = tpu.memref_slice %arg2[%dma_start3A_4, %dma_start3A_5] : memref<100000x256xf32, #tpu.memory_space<hbm>> -> memref<100000x256xf32, #tpu.memory_space<hbm>>
    tpu.enqueue_indirect_dma source(%dma_start3A_6 : memref<100000x256xf32, #tpu.memory_space<hbm>>) target(%arg6 : memref<128x256xf32, #tpu.memory_space<vmem>>) offsets(%dma_start3A_3 : memref<128xi32, #tpu.memory_space<vmem>>) semaphore(%arg9 : memref<!tpu.dma_semaphore, #tpu.memory_space<semaphore_mem>>)
    %dma_start3A_7 = arith.constant 128 : i32
    %dma_start3A_8 = tpu.memref_slice %arg5[%dma_start3A_7] : memref<25600xi32, #tpu.memory_space<vmem>> -> memref<128xi32, #tpu.memory_space<vmem>>
    %dma_start3A_9 = arith.constant 0 : i32
    %dma_start3A_10 = arith.constant 0 : i32
    %dma_start3A_11 = tpu.memref_slice %arg2[%dma_start3A_9, %dma_start3A_10] : memref<100000x256xf32, #tpu.memory_space<hbm>> -> memref<100000x256xf32, #tpu.memory_space<hbm>>
    tpu.enqueue_indirect_dma source(%dma_start3A_11 : memref<100000x256xf32, #tpu.memory_space<hbm>>) target(%arg7 : memref<128x256xf32, #tpu.memory_space<vmem>>) offsets(%dma_start3A_8 : memref<128xi32, #tpu.memory_space<vmem>>) semaphore(%arg10 : memref<!tpu.dma_semaphore, #tpu.memory_space<semaphore_mem>>)
    %scan3A = arith.constant 0 : i32
    %scan3A_12 = arith.constant 0 : i32
    %scan3A_13 = arith.constant 66 : i32
    %scan3A_14 = arith.addi %scan3A_12, %scan3A_13 : i32
    %scan3A_15 = arith.constant 1 : i32
    scf.for %scan3A_56 = %scan3A_12 to %scan3A_14 step %scan3A_15  : i32 {
      %mul3A_57 = arith.constant 3 : i32
      %mul3A_58 = arith.muli %mul3A_57, %scan3A_56 : i32
      %add3A_59 = arith.constant 0 : i32
      %add3A_60 = arith.addi %mul3A_58, %add3A_59 : i32
      %ge3A = arith.constant 1 : i32
      %ge3A_61 = arith.cmpi sge, %add3A_60, %ge3A : i32
      %convert_element_type3A = arith.extui %ge3A_61 : i1 to i32
      %cond3A = arith.constant 0 : i32
      %cond3A_62 = arith.cmpi ne, %convert_element_type3A, %cond3A : i32
      scf.if %cond3A_62 {
        %sub3A_145 = arith.constant 1 : i32
        %sub3A_146 = arith.subi %add3A_60, %sub3A_145 : i32
        %mul3A_147 = arith.constant 128 : i32
        %mul3A_148 = arith.muli %sub3A_146, %mul3A_147 : i32
        %add3A_149 = arith.addi %mul3A_2, %mul3A_148 : i32
        %dma_wait3A_150 = arith.constant 0 : i32
        %dma_wait3A_151 = tpu.memref_slice %arg4[%add3A_149, %dma_wait3A_150] : memref<819200x256xf32, #tpu.memory_space<hbm>> -> memref<128x256xf32, #tpu.memory_space<hbm>>
        %dma_wait3A_152 = arith.constant 0 : i32
        %dma_wait3A_153 = tpu.memref_slice %arg4[%add3A_149, %dma_wait3A_152] : memref<819200x256xf32, #tpu.memory_space<hbm>> -> memref<128x256xf32, #tpu.memory_space<hbm>>
        tpu.wait_dma2 semaphore(%arg14 : memref<!tpu.dma_semaphore, #tpu.memory_space<semaphore_mem>>) src(%arg8 : memref<128x256xf32, #tpu.memory_space<vmem>>) dst(%dma_wait3A_153 : memref<128x256xf32, #tpu.memory_space<hbm>>)
      } else {
      }
      %add3A_63 = arith.constant 3 : i32
      %add3A_64 = arith.addi %add3A_60, %add3A_63 : i32
      %sub3A = arith.constant 1 : i32
      %sub3A_65 = arith.subi %add3A_64, %sub3A : i32
      %lt3A = arith.constant 200 : i32
      %lt3A_66 = arith.cmpi slt, %sub3A_65, %lt3A : i32
      %convert_element_type3A_67 = arith.extui %lt3A_66 : i1 to i32
      %cond3A_68 = arith.constant 0 : i32
      %cond3A_69 = arith.cmpi ne, %convert_element_type3A_67, %cond3A_68 : i32
      scf.if %cond3A_69 {
        %add3A_145 = arith.constant 3 : i32
        %add3A_146 = arith.addi %add3A_60, %add3A_145 : i32
        %sub3A_147 = arith.constant 1 : i32
        %sub3A_148 = arith.subi %add3A_146, %sub3A_147 : i32
        %mul3A_149 = arith.constant 128 : i32
        %mul3A_150 = arith.muli %sub3A_148, %mul3A_149 : i32
        %dma_start3A_151 = tpu.memref_slice %arg5[%mul3A_150] : memref<25600xi32, #tpu.memory_space<vmem>> -> memref<128xi32, #tpu.memory_space<vmem>>
        %dma_start3A_152 = arith.constant 0 : i32
        %dma_start3A_153 = arith.constant 0 : i32
        %dma_start3A_154 = tpu.memref_slice %arg2[%dma_start3A_152, %dma_start3A_153] : memref<100000x256xf32, #tpu.memory_space<hbm>> -> memref<100000x256xf32, #tpu.memory_space<hbm>>
        tpu.enqueue_indirect_dma source(%dma_start3A_154 : memref<100000x256xf32, #tpu.memory_space<hbm>>) target(%arg8 : memref<128x256xf32, #tpu.memory_space<vmem>>) offsets(%dma_start3A_151 : memref<128xi32, #tpu.memory_space<vmem>>) semaphore(%arg11 : memref<!tpu.dma_semaphore, #tpu.memory_space<semaphore_mem>>)
      } else {
      }
      %mul3A_70 = arith.constant 128 : i32
      %mul3A_71 = arith.muli %add3A_60, %mul3A_70 : i32
      %dma_wait3A_72 = tpu.memref_slice %arg5[%mul3A_71] : memref<25600xi32, #tpu.memory_space<vmem>> -> memref<128xi32, #tpu.memory_space<vmem>>
      %dma_wait3A_73 = arith.constant 0 : i32
      %dma_wait3A_74 = arith.constant 0 : i32
      %dma_wait3A_75 = tpu.memref_slice %arg2[%dma_wait3A_73, %dma_wait3A_74] : memref<100000x256xf32, #tpu.memory_space<hbm>> -> memref<100000x256xf32, #tpu.memory_space<hbm>>
      tpu.wait_indirect_dma semaphore(%arg9 : memref<!tpu.dma_semaphore, #tpu.memory_space<semaphore_mem>>) src(%dma_wait3A_75 : memref<100000x256xf32, #tpu.memory_space<hbm>>) dst(%arg6 : memref<128x256xf32, #tpu.memory_space<vmem>>)
      %mul3A_76 = arith.constant 128 : i32
      %mul3A_77 = arith.muli %add3A_60, %mul3A_76 : i32
      %add3A_78 = arith.addi %mul3A_2, %mul3A_77 : i32
      %dma_start3A_79 = arith.constant 0 : i32
      %dma_start3A_80 = tpu.memref_slice %arg4[%add3A_78, %dma_start3A_79] : memref<819200x256xf32, #tpu.memory_space<hbm>> -> memref<128x256xf32, #tpu.memory_space<hbm>>
      %dma_start3A_81 = arith.constant 0 : i32
      %dma_start3A_82 = tpu.memref_slice %arg4[%add3A_78, %dma_start3A_81] : memref<819200x256xf32, #tpu.memory_space<hbm>> -> memref<128x256xf32, #tpu.memory_space<hbm>>
      tpu.enqueue_dma source(%arg6 : memref<128x256xf32, #tpu.memory_space<vmem>>) target(%dma_start3A_82 : memref<128x256xf32, #tpu.memory_space<hbm>>) target_semaphore(%arg12 : memref<!tpu.dma_semaphore, #tpu.memory_space<semaphore_mem>>)
      %mul3A_83 = arith.constant 3 : i32
      %mul3A_84 = arith.muli %mul3A_83, %scan3A_56 : i32
      %add3A_85 = arith.constant 1 : i32
      %add3A_86 = arith.addi %mul3A_84, %add3A_85 : i32
      %ge3A_87 = arith.constant 1 : i32
      %ge3A_88 = arith.cmpi sge, %add3A_86, %ge3A_87 : i32
      %convert_element_type3A_89 = arith.extui %ge3A_88 : i1 to i32
      %cond3A_90 = arith.constant 0 : i32
      %cond3A_91 = arith.cmpi ne, %convert_element_type3A_89, %cond3A_90 : i32
      scf.if %cond3A_91 {
        %sub3A_145 = arith.constant 1 : i32
        %sub3A_146 = arith.subi %add3A_86, %sub3A_145 : i32
        %mul3A_147 = arith.constant 128 : i32
        %mul3A_148 = arith.muli %sub3A_146, %mul3A_147 : i32
        %add3A_149 = arith.addi %mul3A_2, %mul3A_148 : i32
        %dma_wait3A_150 = arith.constant 0 : i32
        %dma_wait3A_151 = tpu.memref_slice %arg4[%add3A_149, %dma_wait3A_150] : memref<819200x256xf32, #tpu.memory_space<hbm>> -> memref<128x256xf32, #tpu.memory_space<hbm>>
        %dma_wait3A_152 = arith.constant 0 : i32
        %dma_wait3A_153 = tpu.memref_slice %arg4[%add3A_149, %dma_wait3A_152] : memref<819200x256xf32, #tpu.memory_space<hbm>> -> memref<128x256xf32, #tpu.memory_space<hbm>>
        tpu.wait_dma2 semaphore(%arg12 : memref<!tpu.dma_semaphore, #tpu.memory_space<semaphore_mem>>) src(%arg6 : memref<128x256xf32, #tpu.memory_space<vmem>>) dst(%dma_wait3A_153 : memref<128x256xf32, #tpu.memory_space<hbm>>)
      } else {
      }
      %add3A_92 = arith.constant 3 : i32
      %add3A_93 = arith.addi %add3A_86, %add3A_92 : i32
      %sub3A_94 = arith.constant 1 : i32
      %sub3A_95 = arith.subi %add3A_93, %sub3A_94 : i32
      %lt3A_96 = arith.constant 200 : i32
      %lt3A_97 = arith.cmpi slt, %sub3A_95, %lt3A_96 : i32
      %convert_element_type3A_98 = arith.extui %lt3A_97 : i1 to i32
      %cond3A_99 = arith.constant 0 : i32
      %cond3A_100 = arith.cmpi ne, %convert_element_type3A_98, %cond3A_99 : i32
      scf.if %cond3A_100 {
        %add3A_145 = arith.constant 3 : i32
        %add3A_146 = arith.addi %add3A_86, %add3A_145 : i32
        %sub3A_147 = arith.constant 1 : i32
        %sub3A_148 = arith.subi %add3A_146, %sub3A_147 : i32
        %mul3A_149 = arith.constant 128 : i32
        %mul3A_150 = arith.muli %sub3A_148, %mul3A_149 : i32
        %dma_start3A_151 = tpu.memref_slice %arg5[%mul3A_150] : memref<25600xi32, #tpu.memory_space<vmem>> -> memref<128xi32, #tpu.memory_space<vmem>>
        %dma_start3A_152 = arith.constant 0 : i32
        %dma_start3A_153 = arith.constant 0 : i32
        %dma_start3A_154 = tpu.memref_slice %arg2[%dma_start3A_152, %dma_start3A_153] : memref<100000x256xf32, #tpu.memory_space<hbm>> -> memref<100000x256xf32, #tpu.memory_space<hbm>>
        tpu.enqueue_indirect_dma source(%dma_start3A_154 : memref<100000x256xf32, #tpu.memory_space<hbm>>) target(%arg6 : memref<128x256xf32, #tpu.memory_space<vmem>>) offsets(%dma_start3A_151 : memref<128xi32, #tpu.memory_space<vmem>>) semaphore(%arg9 : memref<!tpu.dma_semaphore, #tpu.memory_space<semaphore_mem>>)
      } else {
      }
      %mul3A_101 = arith.constant 128 : i32
      %mul3A_102 = arith.muli %add3A_86, %mul3A_101 : i32
      %dma_wait3A_103 = tpu.memref_slice %arg5[%mul3A_102] : memref<25600xi32, #tpu.memory_space<vmem>> -> memref<128xi32, #tpu.memory_space<vmem>>
      %dma_wait3A_104 = arith.constant 0 : i32
      %dma_wait3A_105 = arith.constant 0 : i32
      %dma_wait3A_106 = tpu.memref_slice %arg2[%dma_wait3A_104, %dma_wait3A_105] : memref<100000x256xf32, #tpu.memory_space<hbm>> -> memref<100000x256xf32, #tpu.memory_space<hbm>>
      tpu.wait_indirect_dma semaphore(%arg10 : memref<!tpu.dma_semaphore, #tpu.memory_space<semaphore_mem>>) src(%dma_wait3A_106 : memref<100000x256xf32, #tpu.memory_space<hbm>>) dst(%arg7 : memref<128x256xf32, #tpu.memory_space<vmem>>)
      %mul3A_107 = arith.constant 128 : i32
      %mul3A_108 = arith.muli %add3A_86, %mul3A_107 : i32
      %add3A_109 = arith.addi %mul3A_2, %mul3A_108 : i32
      %dma_start3A_110 = arith.constant 0 : i32
      %dma_start3A_111 = tpu.memref_slice %arg4[%add3A_109, %dma_start3A_110] : memref<819200x256xf32, #tpu.memory_space<hbm>> -> memref<128x256xf32, #tpu.memory_space<hbm>>
      %dma_start3A_112 = arith.constant 0 : i32
      %dma_start3A_113 = tpu.memref_slice %arg4[%add3A_109, %dma_start3A_112] : memref<819200x256xf32, #tpu.memory_space<hbm>> -> memref<128x256xf32, #tpu.memory_space<hbm>>
      tpu.enqueue_dma source(%arg7 : memref<128x256xf32, #tpu.memory_space<vmem>>) target(%dma_start3A_113 : memref<128x256xf32, #tpu.memory_space<hbm>>) target_semaphore(%arg13 : memref<!tpu.dma_semaphore, #tpu.memory_space<semaphore_mem>>)
      %mul3A_114 = arith.constant 3 : i32
      %mul3A_115 = arith.muli %mul3A_114, %scan3A_56 : i32
      %add3A_116 = arith.constant 2 : i32
      %add3A_117 = arith.addi %mul3A_115, %add3A_116 : i32
      %ge3A_118 = arith.constant 1 : i32
      %ge3A_119 = arith.cmpi sge, %add3A_117, %ge3A_118 : i32
      %convert_element_type3A_120 = arith.extui %ge3A_119 : i1 to i32
      %cond3A_121 = arith.constant 0 : i32
      %cond3A_122 = arith.cmpi ne, %convert_element_type3A_120, %cond3A_121 : i32
      scf.if %cond3A_122 {
        %sub3A_145 = arith.constant 1 : i32
        %sub3A_146 = arith.subi %add3A_117, %sub3A_145 : i32
        %mul3A_147 = arith.constant 128 : i32
        %mul3A_148 = arith.muli %sub3A_146, %mul3A_147 : i32
        %add3A_149 = arith.addi %mul3A_2, %mul3A_148 : i32
        %dma_wait3A_150 = arith.constant 0 : i32
        %dma_wait3A_151 = tpu.memref_slice %arg4[%add3A_149, %dma_wait3A_150] : memref<819200x256xf32, #tpu.memory_space<hbm>> -> memref<128x256xf32, #tpu.memory_space<hbm>>
        %dma_wait3A_152 = arith.constant 0 : i32
        %dma_wait3A_153 = tpu.memref_slice %arg4[%add3A_149, %dma_wait3A_152] : memref<819200x256xf32, #tpu.memory_space<hbm>> -> memref<128x256xf32, #tpu.memory_space<hbm>>
        tpu.wait_dma2 semaphore(%arg13 : memref<!tpu.dma_semaphore, #tpu.memory_space<semaphore_mem>>) src(%arg7 : memref<128x256xf32, #tpu.memory_space<vmem>>) dst(%dma_wait3A_153 : memref<128x256xf32, #tpu.memory_space<hbm>>)
      } else {
      }
      %add3A_123 = arith.constant 3 : i32
      %add3A_124 = arith.addi %add3A_117, %add3A_123 : i32
      %sub3A_125 = arith.constant 1 : i32
      %sub3A_126 = arith.subi %add3A_124, %sub3A_125 : i32
      %lt3A_127 = arith.constant 200 : i32
      %lt3A_128 = arith.cmpi slt, %sub3A_126, %lt3A_127 : i32
      %convert_element_type3A_129 = arith.extui %lt3A_128 : i1 to i32
      %cond3A_130 = arith.constant 0 : i32
      %cond3A_131 = arith.cmpi ne, %convert_element_type3A_129, %cond3A_130 : i32
      scf.if %cond3A_131 {
        %add3A_145 = arith.constant 3 : i32
        %add3A_146 = arith.addi %add3A_117, %add3A_145 : i32
        %sub3A_147 = arith.constant 1 : i32
        %sub3A_148 = arith.subi %add3A_146, %sub3A_147 : i32
        %mul3A_149 = arith.constant 128 : i32
        %mul3A_150 = arith.muli %sub3A_148, %mul3A_149 : i32
        %dma_start3A_151 = tpu.memref_slice %arg5[%mul3A_150] : memref<25600xi32, #tpu.memory_space<vmem>> -> memref<128xi32, #tpu.memory_space<vmem>>
        %dma_start3A_152 = arith.constant 0 : i32
        %dma_start3A_153 = arith.constant 0 : i32
        %dma_start3A_154 = tpu.memref_slice %arg2[%dma_start3A_152, %dma_start3A_153] : memref<100000x256xf32, #tpu.memory_space<hbm>> -> memref<100000x256xf32, #tpu.memory_space<hbm>>
        tpu.enqueue_indirect_dma source(%dma_start3A_154 : memref<100000x256xf32, #tpu.memory_space<hbm>>) target(%arg7 : memref<128x256xf32, #tpu.memory_space<vmem>>) offsets(%dma_start3A_151 : memref<128xi32, #tpu.memory_space<vmem>>) semaphore(%arg10 : memref<!tpu.dma_semaphore, #tpu.memory_space<semaphore_mem>>)
      } else {
      }
      %mul3A_132 = arith.constant 128 : i32
      %mul3A_133 = arith.muli %add3A_117, %mul3A_132 : i32
      %dma_wait3A_134 = tpu.memref_slice %arg5[%mul3A_133] : memref<25600xi32, #tpu.memory_space<vmem>> -> memref<128xi32, #tpu.memory_space<vmem>>
      %dma_wait3A_135 = arith.constant 0 : i32
      %dma_wait3A_136 = arith.constant 0 : i32
      %dma_wait3A_137 = tpu.memref_slice %arg2[%dma_wait3A_135, %dma_wait3A_136] : memref<100000x256xf32, #tpu.memory_space<hbm>> -> memref<100000x256xf32, #tpu.memory_space<hbm>>
      tpu.wait_indirect_dma semaphore(%arg11 : memref<!tpu.dma_semaphore, #tpu.memory_space<semaphore_mem>>) src(%dma_wait3A_137 : memref<100000x256xf32, #tpu.memory_space<hbm>>) dst(%arg8 : memref<128x256xf32, #tpu.memory_space<vmem>>)
      %mul3A_138 = arith.constant 128 : i32
      %mul3A_139 = arith.muli %add3A_117, %mul3A_138 : i32
      %add3A_140 = arith.addi %mul3A_2, %mul3A_139 : i32
      %dma_start3A_141 = arith.constant 0 : i32
      %dma_start3A_142 = tpu.memref_slice %arg4[%add3A_140, %dma_start3A_141] : memref<819200x256xf32, #tpu.memory_space<hbm>> -> memref<128x256xf32, #tpu.memory_space<hbm>>
      %dma_start3A_143 = arith.constant 0 : i32
      %dma_start3A_144 = tpu.memref_slice %arg4[%add3A_140, %dma_start3A_143] : memref<819200x256xf32, #tpu.memory_space<hbm>> -> memref<128x256xf32, #tpu.memory_space<hbm>>
      tpu.enqueue_dma source(%arg8 : memref<128x256xf32, #tpu.memory_space<vmem>>) target(%dma_start3A_144 : memref<128x256xf32, #tpu.memory_space<hbm>>) target_semaphore(%arg14 : memref<!tpu.dma_semaphore, #tpu.memory_space<semaphore_mem>>)
    }
    %scan3A_16 = arith.constant 66 : i32
    %add3A_17 = arith.constant 25216 : i32
    %add3A_18 = arith.addi %mul3A_2, %add3A_17 : i32
    %dma_wait3A = arith.constant 0 : i32
    %dma_wait3A_19 = tpu.memref_slice %arg4[%add3A_18, %dma_wait3A] : memref<819200x256xf32, #tpu.memory_space<hbm>> -> memref<128x256xf32, #tpu.memory_space<hbm>>
    %dma_wait3A_20 = arith.constant 0 : i32
    %dma_wait3A_21 = tpu.memref_slice %arg4[%add3A_18, %dma_wait3A_20] : memref<819200x256xf32, #tpu.memory_space<hbm>> -> memref<128x256xf32, #tpu.memory_space<hbm>>
    tpu.wait_dma2 semaphore(%arg14 : memref<!tpu.dma_semaphore, #tpu.memory_space<semaphore_mem>>) src(%arg8 : memref<128x256xf32, #tpu.memory_space<vmem>>) dst(%dma_wait3A_21 : memref<128x256xf32, #tpu.memory_space<hbm>>)
    %dma_wait3A_22 = arith.constant 25344 : i32
    %dma_wait3A_23 = tpu.memref_slice %arg5[%dma_wait3A_22] : memref<25600xi32, #tpu.memory_space<vmem>> -> memref<128xi32, #tpu.memory_space<vmem>>
    %dma_wait3A_24 = arith.constant 0 : i32
    %dma_wait3A_25 = arith.constant 0 : i32
    %dma_wait3A_26 = tpu.memref_slice %arg2[%dma_wait3A_24, %dma_wait3A_25] : memref<100000x256xf32, #tpu.memory_space<hbm>> -> memref<100000x256xf32, #tpu.memory_space<hbm>>
    tpu.wait_indirect_dma semaphore(%arg9 : memref<!tpu.dma_semaphore, #tpu.memory_space<semaphore_mem>>) src(%dma_wait3A_26 : memref<100000x256xf32, #tpu.memory_space<hbm>>) dst(%arg6 : memref<128x256xf32, #tpu.memory_space<vmem>>)
    %add3A_27 = arith.constant 25344 : i32
    %add3A_28 = arith.addi %mul3A_2, %add3A_27 : i32
    %dma_start3A_29 = arith.constant 0 : i32
    %dma_start3A_30 = tpu.memref_slice %arg4[%add3A_28, %dma_start3A_29] : memref<819200x256xf32, #tpu.memory_space<hbm>> -> memref<128x256xf32, #tpu.memory_space<hbm>>
    %dma_start3A_31 = arith.constant 0 : i32
    %dma_start3A_32 = tpu.memref_slice %arg4[%add3A_28, %dma_start3A_31] : memref<819200x256xf32, #tpu.memory_space<hbm>> -> memref<128x256xf32, #tpu.memory_space<hbm>>
    tpu.enqueue_dma source(%arg6 : memref<128x256xf32, #tpu.memory_space<vmem>>) target(%dma_start3A_32 : memref<128x256xf32, #tpu.memory_space<hbm>>) target_semaphore(%arg12 : memref<!tpu.dma_semaphore, #tpu.memory_space<semaphore_mem>>)
    %add3A_33 = arith.constant 25344 : i32
    %add3A_34 = arith.addi %mul3A_2, %add3A_33 : i32
    %dma_wait3A_35 = arith.constant 0 : i32
    %dma_wait3A_36 = tpu.memref_slice %arg4[%add3A_34, %dma_wait3A_35] : memref<819200x256xf32, #tpu.memory_space<hbm>> -> memref<128x256xf32, #tpu.memory_space<hbm>>
    %dma_wait3A_37 = arith.constant 0 : i32
    %dma_wait3A_38 = tpu.memref_slice %arg4[%add3A_34, %dma_wait3A_37] : memref<819200x256xf32, #tpu.memory_space<hbm>> -> memref<128x256xf32, #tpu.memory_space<hbm>>
    tpu.wait_dma2 semaphore(%arg12 : memref<!tpu.dma_semaphore, #tpu.memory_space<semaphore_mem>>) src(%arg6 : memref<128x256xf32, #tpu.memory_space<vmem>>) dst(%dma_wait3A_38 : memref<128x256xf32, #tpu.memory_space<hbm>>)
    %dma_wait3A_39 = arith.constant 25472 : i32
    %dma_wait3A_40 = tpu.memref_slice %arg5[%dma_wait3A_39] : memref<25600xi32, #tpu.memory_space<vmem>> -> memref<128xi32, #tpu.memory_space<vmem>>
    %dma_wait3A_41 = arith.constant 0 : i32
    %dma_wait3A_42 = arith.constant 0 : i32
    %dma_wait3A_43 = tpu.memref_slice %arg2[%dma_wait3A_41, %dma_wait3A_42] : memref<100000x256xf32, #tpu.memory_space<hbm>> -> memref<100000x256xf32, #tpu.memory_space<hbm>>
    tpu.wait_indirect_dma semaphore(%arg10 : memref<!tpu.dma_semaphore, #tpu.memory_space<semaphore_mem>>) src(%dma_wait3A_43 : memref<100000x256xf32, #tpu.memory_space<hbm>>) dst(%arg7 : memref<128x256xf32, #tpu.memory_space<vmem>>)
    %add3A_44 = arith.constant 25472 : i32
    %add3A_45 = arith.addi %mul3A_2, %add3A_44 : i32
    %dma_start3A_46 = arith.constant 0 : i32
    %dma_start3A_47 = tpu.memref_slice %arg4[%add3A_45, %dma_start3A_46] : memref<819200x256xf32, #tpu.memory_space<hbm>> -> memref<128x256xf32, #tpu.memory_space<hbm>>
    %dma_start3A_48 = arith.constant 0 : i32
    %dma_start3A_49 = tpu.memref_slice %arg4[%add3A_45, %dma_start3A_48] : memref<819200x256xf32, #tpu.memory_space<hbm>> -> memref<128x256xf32, #tpu.memory_space<hbm>>
    tpu.enqueue_dma source(%arg7 : memref<128x256xf32, #tpu.memory_space<vmem>>) target(%dma_start3A_49 : memref<128x256xf32, #tpu.memory_space<hbm>>) target_semaphore(%arg13 : memref<!tpu.dma_semaphore, #tpu.memory_space<semaphore_mem>>)
    %add3A_50 = arith.constant 25472 : i32
    %add3A_51 = arith.addi %mul3A_2, %add3A_50 : i32
    %dma_wait3A_52 = arith.constant 0 : i32
    %dma_wait3A_53 = tpu.memref_slice %arg4[%add3A_51, %dma_wait3A_52] : memref<819200x256xf32, #tpu.memory_space<hbm>> -> memref<128x256xf32, #tpu.memory_space<hbm>>
    %dma_wait3A_54 = arith.constant 0 : i32
    %dma_wait3A_55 = tpu.memref_slice %arg4[%add3A_51, %dma_wait3A_54] : memref<819200x256xf32, #tpu.memory_space<hbm>> -> memref<128x256xf32, #tpu.memory_space<hbm>>
    tpu.wait_dma2 semaphore(%arg13 : memref<!tpu.dma_semaphore, #tpu.memory_space<semaphore_mem>>) src(%arg7 : memref<128x256xf32, #tpu.memory_space<vmem>>) dst(%dma_wait3A_55 : memref<128x256xf32, #tpu.memory_space<hbm>>)
    return
  }
}

module attributes {stable_mosaic.version = 14 : i64} {
  func.func @_proj_body(%arg0: i32, %arg1: memref<10000x128xf32, #tpu.memory_space<vmem>>, %arg2: memref<256x128xf32, #tpu.memory_space<vmem>>, %arg3: memref<10000x256xf32, #tpu.memory_space<vmem>>) attributes {dimension_semantics = [#tpu.dimension_semantics<arbitrary>], iteration_bounds = array<i64: 10>, scalar_prefetch = 0 : i64, scratch_operands = 0 : i64, tpu.core_type = #tpu.core_type<tc>, window_params = [{transform_indices = @transform_0, window_bounds = array<i64: 10000, 128>}, {pipeline_mode = #tpu.pipeline_mode<synchronous>, transform_indices = @transform_1, window_bounds = array<i64: 256, 128>}, {transform_indices = @transform_2, window_bounds = array<i64: 10000, 256>}]} {
    %get3A = arith.constant 0 : index
    %get3A_0 = arith.constant 0 : index
    %get3A_1 = vector.load %arg1[%get3A, %get3A_0] : memref<10000x128xf32, #tpu.memory_space<vmem>>, vector<10000x128xf32>
    %get3A_2 = arith.constant 0 : index
    %get3A_3 = arith.constant 0 : index
    %get3A_4 = vector.load %arg2[%get3A_2, %get3A_3] : memref<256x128xf32, #tpu.memory_space<vmem>>, vector<256x128xf32>
    %dot_general3A = arith.constant dense<0.000000e+00> : vector<10000x256xf32>
    %dot_general3A_5 = tpu.matmul %get3A_1, %get3A_4, %dot_general3A {dimension_numbers = #tpu.dot_dimension_numbers<[1], [1], [0], [0], [0, 0, 1, 0], [], []>, transpose_lhs_hint = false} : vector<10000x128xf32>, vector<256x128xf32>, vector<10000x256xf32> -> vector<10000x256xf32>
    %swap3A = arith.constant 0 : index
    %swap3A_6 = arith.constant 0 : index
    %swap3A_7 = vector.load %arg3[%swap3A, %swap3A_6] : memref<10000x256xf32, #tpu.memory_space<vmem>>, vector<10000x256xf32>
    tpu.vector_store %arg3[%swap3A, %swap3A_6], %dot_general3A_5 {strides = array<i32>} : memref<10000x256xf32, #tpu.memory_space<vmem>>, vector<10000x256xf32>,
    return
  }
  func.func @transform_0(%arg0: i32) -> (i32, i32) {
    %c0_i32 = arith.constant 0 : i32
    %c0_i32_0 = arith.constant 0 : i32
    return %arg0, %c0_i32 : i32, i32
  }
  func.func @transform_1(%arg0: i32) -> (i32, i32) {
    %c0_i32 = arith.constant 0 : i32
    %c0_i32_0 = arith.constant 0 : i32
    %c0_i32_1 = arith.constant 0 : i32
    return %c0_i32, %c0_i32_0 : i32, i32
  }
  func.func @transform_2(%arg0: i32) -> (i32, i32) {
    %c0_i32 = arith.constant 0 : i32
    %c0_i32_0 = arith.constant 0 : i32
    return %arg0, %c0_i32 : i32, i32
  }
}

</mosaic_0001>

<sc_bundles>
// kernel: kernel.4.cloned.1.call-start
scs
__scs_entry_jumppad:
0x0: {  	(pc) =	sbr.rel $0x88, $3  }
0x1: {  	(tag) =	ssettag $0x0;
	lr =	simm.s32 $0x1  }
0x2: {  	[smem:$0x3F9E] =	sst lr;
	_ =	strace $0xD0000000  }
0x3: {  	_ = 	snop  }
0x4: {  	_ = 	snop  }
0x5: {  	_ = 	snop  }
0x6: {  	_ = 	snop  }
0x7: {  	_ = 	snop  }
__scs_overlays_trampoline_lowered:
0x8: {  	[smem:$0x3FAD] =	sst s0  }
0x9: {  	[smem:$0x3FAE] =	sst s1  }
0xa: {  	[smem:$0x3FAF] =	sst s2  }
0xb: {  	[smem:$0x3FB0] =	sst s3  }
0xc: {  	[smem:$0x3FB1] =	sst s4  }
0xd: {  	[smem:$0x3FB2] =	sst s5  }
0xe: {  	[smem:$0x3FB3] =	sst s6  }
0xf: {  	[smem:$0x3FB4] =	sst s7  }
0x10: {  	[smem:$0x3FB5] =	sst s8  }
0x11: {  	[smem:$0x3FB6] =	sst s9;
	s0 =	simm.s32 @!p0 $0x0  }
0x12: {  	s1 =	sld [smem:$0x3F9C];
	s0 =	simm.s32 @p0 $0x1  }
0x13: {  	[smem:$0x3FB7] =	sst s0;
	s0 =	simm.s32 @!p1 $0x0  }
0x14: {  	s2 =	sld [smem:$0x3F9B];
	s0 =	simm.s32 @p1 $0x1  }
0x15: {  	[smem:$0x3FB8] =	sst s0;
	s0 =	simm.s32 @!p2 $0x0  }
0x16: {  	s3 =	sld [smem:$0x3FDB];
	s0 =	simm.s32 @p2 $0x1  }
0x17: {  	s4 =	simm.s32 $0x1BF5;
	[smem:$0x3FBA] =	sst s0  }
0x18: {  	s0 =	sld [smem:$0x3F9D];
	_ =	swait.ge [sflag:s4], $0x0  }
0x19: {  	s7 =	sld [smem:$0x3F9E]  }
0x1a: {  	s8 =	sadd.s32 $0xFFFFE003, lr  }
0x1b: {  	s9 =	sadd.s32 $0xFFFFFEF7, lr;
	s5 =	simm.s32 $0xFFFFFFFF;
	p2 =	slt.u32 s8, $0xFFFFF086  }
0x1c: {  	p1 =	slt.u32 s9, $0xF7A;
	s5 =	simm.s32 @!p2 $0x0  }
0x1d: {  	s5 =	simm.s32 @p1 $0x1;
	p0 =	seq.s32 s7, s2  }
0x1e: {  	s7 =	smul.u32 @!p0 $0xF7A, s2;
	p2 =	seq.s32 @!p0 s5, $0x0  }
0x1f: {  	s9 =	smul.u32 $0xF7A, s1;
	s8 =	simm.s32 @!p0 $0x1BF5;
	p2 =	por !p2, p0  }
0x20: {  	[sflag:s8] =	ssyncset.s32 @!p0 $0xFFFFF086;
	s6 =	sadd.s32 @!p0 s3, s7;
	s7 =	simm.s32 @!p0 $0x108  }
0x21: {  	s3 =	sadd.s32 s3, s9;
	s6 =	sadd.s32 @!p0 $0x88, s6;
	s7 =	simm.s32 @p2 $0x1082  }
0x22: {  	[simem:s7], [sflag:s8] =	dma.local @!p0 [hbm:s6], $0xF7A  }
0x23: {  	s9 =	sor.u32 $0xD0000000, s2;
	s6 =	simm.s32 $0x108;
	_ =	swait.ge @!p0 [sflag:s8], $0x0  }
0x24: {  	s3 =	sadd.s32 $0x88, s3;
	s6 =	simm.s32 @!p1 $0x1082;
	[sflag:s4] =	ssyncset.s32 $0xFFFFF086  }
0x25: {  	[simem:s6], [sflag:s4] =	dma.local [hbm:s3], $0xF7A  }
0x26: {  	[smem:$0x3F9E] =	sst s1;
	(tag) =	ssettag s2;
	_ =	strace s9  }
0x27: {  	s1 =	sld [smem:$0x3FAE]  }
0x28: {  	s2 =	sld [smem:$0x3FAF]  }
0x29: {  	s4 =	sld [smem:$0x3FB1]  }
0x2a: {  	p0 =	seq.s32 s5, $0x0;
	s5 =	sld [smem:$0x3FB2]  }
0x2b: {  	s6 =	sld [smem:$0x3FB3]  }
0x2c: {  	s7 =	sld [smem:$0x3FB4]  }
0x2d: {  	s3 =	simm.s32 $0x108;
	s8 =	sld [smem:$0x3FB5]  }
0x2e: {  	s3 =	simm.s32 @!p0 $0x1082;
	s9 =	sld [smem:$0x3FB6]  }
0x2f: {  	lr =	sadd.s32 s0, s3;
	s0 =	sld [smem:$0x3FAD]  }
0x30: {  	s3 =	sld [smem:$0x3FB0]  }
0x31: {  	[smem:$0x3FB9] =	sst s10  }
0x32: {  	s10 =	sld [smem:$0x3FB7];
	_ =	sdelay $0x3  }
0x33: {  	p0 =	seq.s32 s10, $0x1;
	s10 =	sld [smem:$0x3FB9];
	_ =	sdelay $0x3  }
0x34: {  	[smem:$0x3FB9] =	sst s10  }
0x35: {  	s10 =	sld [smem:$0x3FB8];
	_ =	sdelay $0x3  }
0x36: {  	p1 =	seq.s32 s10, $0x1;
	s10 =	sld [smem:$0x3FB9];
	_ =	sdelay $0x3  }
0x37: {  	[smem:$0x3FB9] =	sst s10  }
0x38: {  	s10 =	sld [smem:$0x3FBA]  }
0x39: {  	_ = 	snop;
	(pc) =	sbr.ind lr, $3  }
0x3a: {  	_ = 	snop  }
0x3b: {  	_ = 	snop  }
0x3c: {  	p2 =	seq.s32 s10, $0x1;
	s10 =	sld [smem:$0x3FB9]  }
0x3d: {  	_ =	shalt  }
0x3e: {  	_ =	shalt  }
0x3f: {  	_ =	shalt  }
0x40: {  	_ =	shalt  }
0x41: {  	_ =	shalt  }
0x42: {  	_ =	shalt  }
0x43: {  	_ =	shalt  }
0x44: {  	_ =	shalt  }
0x45: {  	_ =	shalt  }
0x46: {  	_ =	shalt  }
0x47: {  	_ =	shalt  }
0x48: {  	_ =	shalt  }
0x49: {  	_ =	shalt  }
0x4a: {  	_ =	shalt  }
0x4b: {  	_ =	shalt  }
0x4c: {  	_ =	shalt  }
0x4d: {  	_ =	shalt  }
0x4e: {  	_ =	shalt  }
0x4f: {  	_ =	shalt  }
0x50: {  	_ =	shalt  }
0x51: {  	_ =	shalt  }
0x52: {  	_ =	shalt  }
0x53: {  	_ =	shalt  }
0x54: {  	_ =	shalt  }
0x55: {  	_ =	shalt  }
0x56: {  	_ =	shalt  }
0x57: {  	_ =	shalt  }
0x58: {  	_ =	shalt  }
0x59: {  	_ =	shalt  }
0x5a: {  	_ =	shalt  }
0x5b: {  	_ =	shalt  }
0x5c: {  	_ =	shalt  }
0x5d: {  	_ =	shalt  }
0x5e: {  	_ =	shalt  }
0x5f: {  	_ =	shalt  }
0x60: {  	_ =	shalt  }
0x61: {  	_ =	shalt  }
0x62: {  	_ =	shalt  }
0x63: {  	_ =	shalt  }
0x64: {  	_ =	shalt  }
0x65: {  	_ =	shalt  }
0x66: {  	_ =	shalt  }
0x67: {  	_ =	shalt  }
0x68: {  	_ =	shalt  }
0x69: {  	_ =	shalt  }
0x6a: {  	_ =	shalt  }
0x6b: {  	_ =	shalt  }
0x6c: {  	_ =	shalt  }
0x6d: {  	_ =	shalt  }
0x6e: {  	_ =	shalt  }
0x6f: {  	_ =	shalt  }
0x70: {  	_ =	shalt  }
0x71: {  	_ =	shalt  }
0x72: {  	_ =	shalt  }
0x73: {  	_ =	shalt  }
0x74: {  	_ =	shalt  }
0x75: {  	_ =	shalt  }
0x76: {  	_ =	shalt  }
0x77: {  	_ =	shalt  }
0x78: {  	_ =	shalt  }
0x79: {  	_ =	shalt  }
0x7a: {  	_ =	shalt  }
0x7b: {  	_ =	shalt  }
0x7c: {  	_ =	shalt  }
0x7d: {  	_ =	shalt  }
0x7e: {  	_ =	shalt  }
0x7f: {  	_ =	shalt  }
0x80: {  	_ =	shalt  }
0x81: {  	_ =	shalt  }
0x82: {  	_ =	shalt  }
0x83: {  	_ =	shalt  }
0x84: {  	_ =	shalt  }
0x85: {  	_ =	shalt  }
0x86: {  	_ =	shalt  }
0x87: {  	_ =	shalt  }
.Lfunc_end0:
.L_simem_size_0:
called_computation_lowered:
.L_overlay_start_0:
0x88: {  	s2 =	sld [smem:$0x3FD9]  }
0x89: {  	s3 =	sld [smem:$0x3FFE];
	_ =	sdelay $0x1  }
0x8a: {  	s1 =	srdreg.scid  }
0x8b: {  	s0 =	sand.u32 $0x1, s1  }
0x8c: {  	s17 =	sshll.u32 s0, $0xA;
	s2 =	sadd.s32 s3, s2  }
0x8d: {  	s2 =	sadd.s32 s2, s17  }
0x8e: {  	[smem:$0x3FC5] =	sst s2  }
0x8f: {  	_ = 	snop  }
0x90: {  	s2 =	sld [smem:$0x3FD0];
	(tm) =	ssettm $0x1  }
0x91: {  	s18 =	sld [smem:$0x3FFB];
	_ =	sdelay $0x3  }
0x92: {  	_ =	strace s18  }
0x93: {  	s3 =	sld [smem:$0x3FFC];
	_ =	sdelay $0x3  }
0x94: {  	_ =	strace s3  }
0x95: {  	s3 =	sld [smem:$0x3FFD];
	_ =	sdelay $0x3  }
0x96: {  	_ =	strace s3  }
0x97: {  	_ =	strace $0x8FFFFFFF  }
0x98: {  	s19 =	sld [smem:$0x3FDB];
	_ =	sdelay $0x1  }
0x99: {  	s4 =	simm.s32 $_scs_section_size  }
0x9a: {  	s5 =	simm.s32 $_size__tile_overlayer_lowered;
	s6 =	simm.s32 $_tile_overlayer_lowered  }
0x9b: {  	s22 =	simm.s32 $0x1BFF;
	s21 =	sshll.u32 s6, $0x1;
	s3 =	sadd.s32 s4, s19  }
0x9c: {  	s7 =	simm.s32 $0x0;
	s20 =	sshll.u32 s5, $0x1;
	s5 =	sadd.s32 s21, s3  }
0x9d: {  	[timem:s7], [sflag:s22] =	dma.local [hbm:s5], s20  }
0x9e: {  	_ =	swait.ge [sflag:s22], s20  }
0x9f: {  	s4 =	ssub.s32 $0x0, s20;
	[sflag:s22] =	ssyncset.done $0x0  }
0xa0: {  	[sflag:s22] =	ssyncadd.s32 s4;
	_ =	sdelay $0x1  }
0xa1: {  	s23 =	simm.s32 $0x1B8B  }
0xa2: {  	_ =	swait.ge [sflag:s23], $0x1  }
0xa3: {  	[sflag:s23] =	ssyncset.done $0x0  }
0xa4: {  	s25 =	simm.s32 $0x1B8E;
	s24 =	sld [smem:$0x3FFE];
	[sflag:s23] =	ssyncadd.s32 $0xFFFFFFFF  }
0xa5: {  	s26 =	simm.s32 $execute0_lowered;
	[smem:$0x3FD2] =	sst s25  }
0xa6: {  	s5 =	sshll.u32 s26, $0x1;
	_ =	strace $0x80000046;
	[dreg:$0x1] =	wrdreg $0xFFFFFFFF  }
0xa7: {  	s28 =	simm.s32 $_size_execute0_lowered;
	s3 =	sadd.s32 s3, s5;
	[dreg:$0x0] =	wrdreg $0x0  }
0xa8: {  	s5 =	sshll.u32 s28, $0x1;
	[dreg:$0x2] =	wrdreg s3  }
0xa9: {  	[dreg:$0x3] =	wrdreg s5  }
0xaa: {  	[dreg:$0x4] =	wrdreg $0xC0  }
0xab: {  	_ =	task [dreg:s7], $0x5FFFF  }
0xac: {  	[dreg:$0x1] =	wrdreg $0xFFFFFFFF  }
0xad: {  	[dreg:$0x0] =	wrdreg $0x60  }
0xae: {  	[dreg:$0x2] =	wrdreg s24  }
0xaf: {  	[dreg:$0x3] =	wrdreg s2  }
0xb0: {  	[dreg:$0x4] =	wrdreg $0x9  }
0xb1: {  	_ =	task.clear_ibuf [dreg:s7], $0x5FFFF;
	_ =	strace $0x90000046  }
0xb2: {  	s29 =	simm.s32 $0x9;
	_ =	strace $0x80000048  }
0xb3: {  	_ =	swait.ge [sflag:s29], $0x1  }
0xb4: {  	[sflag:s29] =	ssyncadd.s32 $0xFFFFFFFF  }
0xb5: {  	_ =	strace $0x90000048  }
0xb6: {  	_ =	sfence  }
0xb7: {  	s30 =	sld [smem:$0x0];
	_ =	sdelay $0x2  }
0xb8: {  	s31 =	sshll.u32 s1, $0xD;
	s1 =	sshrl.u32 s1, $0x2  }
0xb9: {  	s3 =	sand.u32 $0x4000, s31;
	s1 =	sadd.s32 s1, s30  }
0xba: {  	s0 =	sor.u32 s3, s0;
	s1 =	sshll.u32 s1, $0x11  }
0xbb: {  	s0 =	sor.u32 s1, s0  }
0xbc: {  	s0 =	sadd.s32 $0x8F2B, s0  }
0xbd: {  	[sflag:s0] =	ssyncadd.remote.s32 $0x1  }
0xbe: {  	_ =	sfence.sel $0xFFFF  }
0xbf: {  	[dreg:$0x0] =	wrdreg $0xFFFFFFFF;
	(pc) =	sbr.abs _section_cstart, $3  }
0xc0: {  	[dreg:$0x1] =	wrdreg $0xFFFFFFFF  }
0xc1: {  	_ =	task.clear_ibuf [dreg:s7], $0x2FFFF;
	_ =	strace $0x9FFFFFFF  }
0xc2: {  	(tm) =	ssettm $0x7FFFFFFF  }
0xc3: {  	_ =	shalt  }
tec
execute0_lowered:
.L_overlay_start_1:
0x0: {  	(tag) =	ssettag $0x1  }
0x1: {  	s0 =	rddreg [dreg:$0x0]  }
0x2: {  	s1 =	rddreg [dreg:$0x1]  }
0x3: {  	s3 =	srdreg.scid;
	s10 =	stileid.u32  }
0x4: {  	s2 =	simm.s32 $0x0;
	s11 =	simm.s32 $0x19400;
	s12 =	simm.s32 $0x19C00  }
0x5: {  	s13 =	simm.s32 $0x1A400;
	s18 =	sshll.u32 s10, $0x1;
	s9 =	smul.u32 $0xC80000, s10  }
0x6: {  	[smem:$0x7FF] =	sst s2;
	s22 =	smul.u32 $0x190000, s10;
	s10 =	simm.s32 $0x18C00  }
0x7: {  	s28 =	simm.s32 $0x9C00;
	_ =	strace $0x80000047;
	[dreg:$0x9] =	wrdreg s10  }
0x8: {  	s14 =	simm.s32 $0x1AC00;
	s29 =	simm.s32 $0xA400;
	[dreg:$0xa] =	wrdreg s11  }
0x9: {  	s15 =	simm.s32 $0x1B400;
	s30 =	simm.s32 $0xAC00;
	[dreg:$0xb] =	wrdreg s12  }
0xa: {  	s16 =	simm.s32 $0x1BC00;
	s17 =	simm.s32 $0x1C400;
	[dreg:$0xc] =	wrdreg s13  }
0xb: {  	s31 =	simm.s32 $0x10C00;
	s4 =	sand.u32 $0x1, s3;
	[dreg:$0xd] =	wrdreg s14  }
0xc: {  	s3 =	sadd.s32 $0x19600, s0;
	s5 =	sor.u32 s4, s18;
	[dreg:$0xe] =	wrdreg s15  }
0xd: {  	s7 =	ssub.s32 $0x2, s4;
	s20 =	smul.u32 $0x640000, s4;
	[dreg:$0xf] =	wrdreg s16  }
0xe: {  	s4 =	smul.u32 $0xC8000, s4;
	[dreg:$0x10] =	wrdreg s17;
	s18 =	simm.s32 $0x1CC00  }
0xf: {  	s10 =	simm.s32 $0xF400;
	s11 =	simm.s32 $0xFC00;
	s12 =	simm.s32 $0x10400  }
0x10: {  	s13 =	simm.s32 $0x16400;
	s14 =	simm.s32 $0x1;
	s15 =	simm.s32 $0x4  }
0x11: {  	s16 =	simm.s32 $0x2;
	s17 =	simm.s32 $0x5;
	s6 =	smul.u32 $0x6400, s5  }
0x12: {  	s5 =	smul.u32 $0x640000, s5;
	s8 =	sshrl.u32 s7, $0x1;
	[dreg:$0x11] =	wrdreg s18  }
0x13: {  	s18 =	simm.s32 $0x3;
	s19 =	ssub.s32 s7, s8;
	s7 =	sadd.s32 s20, s9  }
0x14: {  	s9 =	simm.s32 $0x6400;
	s20 =	simm.s32 $0x7400;
	s8 =	simm.s32 $0x18400  }
0x15: {  	s6 =	sshrl.u32 s6, $0x3;
	s21 =	sshrl.u32 s5, $0x3;
	s5 =	sadd.s32 s22, s1  }
0x16: {  	s7 =	sor.u32 $0x10000, s7;
	s26 =	smax.u32 s19, $0x1;
	s22 =	simm.s32 $0x6C00  }
0x17: {  	[dreg:$0x8] =	wrdreg s8;
	s19 =	simm.s32 $0x1D400;
	s8 =	simm.s32 $0xDC00  }
0x18: {  	s0 =	sadd.s32 s6, s0;
	s24 =	sadd.s32 s4, s5;
	[dreg:$0x17] =	wrdreg s26  }
0x19: {  	s25 =	sshrl.u32 s7, $0x3;
	s5 =	simm.s32 $0x16C00;
	[dreg:$0x12] =	wrdreg s19  }
0x1a: {  	s6 =	simm.s32 $0x17400;
	s7 =	simm.s32 $0x17C00;
	[dreg:$0x3] =	wrdreg s24  }
0x1b: {  	s26 =	simm.s32 $0x9400;
	s19 =	simm.s32 $0x0;
	[dreg:$0x5] =	wrdreg s5  }
0x1c: {  	s0 =	sadd.s32 $0x600, s0;
	s4 =	sadd.s32 s25, s1;
	[dreg:$0x6] =	wrdreg s6  }
0x1d: {  	[dreg:$0x7] =	wrdreg s7;
	s24 =	simm.s32 $0x8C00;
	s5 =	simm.s32 $0xC400  }
0x1e: {  	s6 =	simm.s32 $0xCC00;
	s25 =	simm.s32 $0x1DC00;
	[dreg:$0x18] =	wrdreg s19  }
0x1f: {  	s7 =	simm.s32 $0xD400;
	[dreg:$0x14] =	wrdreg s0;
	s0 =	sadd.s32 s1, s21  }
0x20: {  	[dreg:$0x4] =	wrdreg s4;
	s21 =	simm.s32 $0x7C00;
	s1 =	simm.s32 $0xB400  }
0x21: {  	v2 =	vlaneseq.u32;
	s4 =	simm.s32 $0xBC00;
	[dreg:$0x13] =	wrdreg s25;
	s23 =	sadd.s32 $0xC6000, s0  }
0x22: {  	vm0 =	vmmov $0xffff;
	v1 =	vshrl.u32 v2, $0x3;
	s25 =	simm.s32 $0xE400;
	s0 =	sadd.s32 $0xC7000, s0;
	[dreg:$0x15] =	wrdreg s23  }
0x23: {  	v0 =	vand.u32 $0x7, v2;
	v2 =	vor.u32 $0x8, v2;
	v1 =	vmul.u32 $0x8, v1;
	[dreg:$0x16] =	wrdreg s0;
	s23 =	simm.s32 $0x8400;
	s0 =	simm.s32 $0xEC00  }
.LBB2_1:
0x24: {  	s19 =	rddreg [dreg:$0x14]  }
0x25: {  	[tilespmem:s2], [sflag:$0x7] =	stream.linear.gather [hbm4b:s19+s2], $0x6400, $0x38;
	[tilespmem:$0x1E400] =	vst v63  }
0x26: {  	s19 =	simm.s32 $0x7  }
0x27: {  	_ =	swait.ge [sflag:s19], $0x6400  }
0x28: {  	[sflag:s19] =	ssyncset.done $0x0  }
0x29: {  	[sflag:s19] =	ssyncadd.s32 $0xFFFF9C00  }
0x2a: {  	v3 =	vld [tilespmem:$0x0];
	_ =	sdelay $0x4  }
0x2b: {  	v4 =	vshll.u32 v3, $0x1  }
0x2c: {  	v3 =	vand.u32 $0x7, v3;
	v4 =	vand.u32 $0xFFFFFFF0, v4  }
0x2d: {  	v3 =	vor.u32 v3, v4  }
0x2e: {  	v4 =	vperm.xlane v3, v0;
	_ =	sdelay $0x1  }
0x2f: {  	v3 =	vperm.xlane v3, v2;
	v4 =	vadd.s32 v1, v4;
	_ =	sdelay $0x1  }
0x30: {  	v3 =	vadd.s32 v1, v3;
	_ =	sdelay $0x2  }
0x31: {  	[tilespmem:s9], [sflag:$0x1] =	stream.indirect_vreg.gather [hbm4b:s3+s2], $0x80, v4, vm0, $0xb8;
	[tilespmem:$0x1E400] =	vst v63  }
0x32: {  	_ = 	snop  }
0x33: {  	[tilespmem:s22], [sflag:$0x1] =	stream.indirect_vreg.gather [hbm4b:s3+s2], $0x80, v3, vm0, $0xb8;
	[tilespmem:$0x1E400] =	vst v63  }
0x34: {  	v3 =	vld [tilespmem:$0x10];
	_ =	sdelay $0x4  }
0x35: {  	v49 =	vshll.u32 v3, $0x1  }
0x36: {  	v3 =	vand.u32 $0x7, v3;
	v4 =	vand.u32 $0xFFFFFFF0, v49  }
0x37: {  	v3 =	vor.u32 v3, v4  }
0x38: {  	v4 =	vperm.xlane v3, v0;
	_ =	sdelay $0x1  }
0x39: {  	v3 =	vperm.xlane v3, v2;
	v4 =	vadd.s32 v1, v4;
	_ =	sdelay $0x1  }
0x3a: {  	v3 =	vadd.s32 v1, v3;
	_ =	sdelay $0x2  }
0x3b: {  	[tilespmem:s20], [sflag:$0x1] =	stream.indirect_vreg.gather [hbm4b:s3+s2], $0x80, v4, vm0, $0xb8;
	[tilespmem:$0x1E400] =	vst v63  }
0x3c: {  	_ = 	snop  }
0x3d: {  	[tilespmem:s21], [sflag:$0x1] =	stream.indirect_vreg.gather [hbm4b:s3+s2], $0x80, v3, vm0, $0xb8;
	[tilespmem:$0x1E400] =	vst v63  }
0x3e: {  	v3 =	vld [tilespmem:$0x20];
	_ =	sdelay $0x4  }
0x3f: {  	v50 =	vshll.u32 v3, $0x1  }
0x40: {  	v3 =	vand.u32 $0x7, v3;
	v4 =	vand.u32 $0xFFFFFFF0, v50  }
0x41: {  	v3 =	vor.u32 v3, v4  }
0x42: {  	v4 =	vperm.xlane v3, v0;
	_ =	sdelay $0x1  }
0x43: {  	v3 =	vperm.xlane v3, v2;
	v4 =	vadd.s32 v1, v4;
	_ =	sdelay $0x1  }
0x44: {  	v3 =	vadd.s32 v1, v3;
	_ =	sdelay $0x2  }
0x45: {  	[tilespmem:s23], [sflag:$0x1] =	stream.indirect_vreg.gather [hbm4b:s3+s2], $0x80, v4, vm0, $0xb8;
	[tilespmem:$0x1E400] =	vst v63  }
0x46: {  	_ = 	snop  }
0x47: {  	[tilespmem:s24], [sflag:$0x1] =	stream.indirect_vreg.gather [hbm4b:s3+s2], $0x80, v3, vm0, $0xb8;
	[tilespmem:$0x1E400] =	vst v63  }
0x48: {  	v3 =	vld [tilespmem:$0x30];
	_ =	sdelay $0x4  }
0x49: {  	v51 =	vshll.u32 v3, $0x1  }
0x4a: {  	v3 =	vand.u32 $0x7, v3;
	v4 =	vand.u32 $0xFFFFFFF0, v51  }
0x4b: {  	v3 =	vor.u32 v3, v4  }
0x4c: {  	v4 =	vperm.xlane v3, v0;
	_ =	sdelay $0x1  }
0x4d: {  	v3 =	vperm.xlane v3, v2;
	v4 =	vadd.s32 v1, v4;
	_ =	sdelay $0x1  }
0x4e: {  	v3 =	vadd.s32 v1, v3;
	_ =	sdelay $0x2  }
0x4f: {  	[tilespmem:s26], [sflag:$0x1] =	stream.indirect_vreg.gather [hbm4b:s3+s2], $0x80, v4, vm0, $0xb8;
	[tilespmem:$0x1E400] =	vst v63  }
0x50: {  	_ = 	snop  }
0x51: {  	[tilespmem:s28], [sflag:$0x1] =	stream.indirect_vreg.gather [hbm4b:s3+s2], $0x80, v3, vm0, $0xb8;
	[tilespmem:$0x1E400] =	vst v63  }
0x52: {  	v3 =	vld [tilespmem:$0x40];
	_ =	sdelay $0x4  }
0x53: {  	v52 =	vshll.u32 v3, $0x1  }
0x54: {  	v3 =	vand.u32 $0x7, v3;
	v4 =	vand.u32 $0xFFFFFFF0, v52  }
0x55: {  	v3 =	vor.u32 v3, v4  }
0x56: {  	v4 =	vperm.xlane v3, v0;
	_ =	sdelay $0x1  }
0x57: {  	v3 =	vperm.xlane v3, v2;
	v4 =	vadd.s32 v1, v4;
	_ =	sdelay $0x1  }
0x58: {  	v3 =	vadd.s32 v1, v3;
	_ =	sdelay $0x2  }
0x59: {  	[tilespmem:s29], [sflag:$0x1] =	stream.indirect_vreg.gather [hbm4b:s3+s2], $0x80, v4, vm0, $0xb8;
	[tilespmem:$0x1E400] =	vst v63  }
0x5a: {  	_ = 	snop  }
0x5b: {  	[tilespmem:s30], [sflag:$0x1] =	stream.indirect_vreg.gather [hbm4b:s3+s2], $0x80, v3, vm0, $0xb8;
	[tilespmem:$0x1E400] =	vst v63  }
0x5c: {  	v3 =	vld [tilespmem:$0x50];
	_ =	sdelay $0x4  }
0x5d: {  	v53 =	vshll.u32 v3, $0x1  }
0x5e: {  	v3 =	vand.u32 $0x7, v3;
	v4 =	vand.u32 $0xFFFFFFF0, v53  }
0x5f: {  	v3 =	vor.u32 v3, v4  }
0x60: {  	v4 =	vperm.xlane v3, v0;
	_ =	sdelay $0x1  }
0x61: {  	v3 =	vperm.xlane v3, v2;
	v4 =	vadd.s32 v1, v4;
	_ =	sdelay $0x1  }
0x62: {  	v3 =	vadd.s32 v1, v3;
	_ =	sdelay $0x2  }
0x63: {  	[tilespmem:s1], [sflag:$0x1] =	stream.indirect_vreg.gather [hbm4b:s3+s2], $0x80, v4, vm0, $0xb8;
	[tilespmem:$0x1E400] =	vst v63  }
0x64: {  	_ = 	snop  }
0x65: {  	[tilespmem:s4], [sflag:$0x1] =	stream.indirect_vreg.gather [hbm4b:s3+s2], $0x80, v3, vm0, $0xb8;
	[tilespmem:$0x1E400] =	vst v63  }
0x66: {  	v3 =	vld [tilespmem:$0x60];
	_ =	sdelay $0x4  }
0x67: {  	v54 =	vshll.u32 v3, $0x1  }
0x68: {  	v3 =	vand.u32 $0x7, v3;
	v4 =	vand.u32 $0xFFFFFFF0, v54  }
0x69: {  	v3 =	vor.u32 v3, v4  }
0x6a: {  	v4 =	vperm.xlane v3, v0;
	_ =	sdelay $0x1  }
0x6b: {  	v3 =	vperm.xlane v3, v2;
	v4 =	vadd.s32 v1, v4;
	_ =	sdelay $0x1  }
0x6c: {  	v3 =	vadd.s32 v1, v3;
	_ =	sdelay $0x2  }
0x6d: {  	[tilespmem:s5], [sflag:$0x1] =	stream.indirect_vreg.gather [hbm4b:s3+s2], $0x80, v4, vm0, $0xb8;
	[tilespmem:$0x1E400] =	vst v63  }
0x6e: {  	_ = 	snop  }
0x6f: {  	[tilespmem:s6], [sflag:$0x1] =	stream.indirect_vreg.gather [hbm4b:s3+s2], $0x80, v3, vm0, $0xb8;
	[tilespmem:$0x1E400] =	vst v63  }
0x70: {  	v3 =	vld [tilespmem:$0x70];
	_ =	sdelay $0x4  }
0x71: {  	v55 =	vshll.u32 v3, $0x1  }
0x72: {  	v3 =	vand.u32 $0x7, v3;
	v4 =	vand.u32 $0xFFFFFFF0, v55  }
0x73: {  	v3 =	vor.u32 v3, v4  }
0x74: {  	v4 =	vperm.xlane v3, v0;
	_ =	sdelay $0x1  }
0x75: {  	v3 =	vperm.xlane v3, v2;
	v4 =	vadd.s32 v1, v4;
	_ =	sdelay $0x1  }
0x76: {  	v3 =	vadd.s32 v1, v3;
	_ =	sdelay $0x2  }
0x77: {  	[tilespmem:s7], [sflag:$0x1] =	stream.indirect_vreg.gather [hbm4b:s3+s2], $0x80, v4, vm0, $0xb8;
	[tilespmem:$0x1E400] =	vst v63  }
0x78: {  	_ = 	snop  }
0x79: {  	[tilespmem:s8], [sflag:$0x1] =	stream.indirect_vreg.gather [hbm4b:s3+s2], $0x80, v3, vm0, $0xb8;
	[tilespmem:$0x1E400] =	vst v63  }
0x7a: {  	v3 =	vld [tilespmem:$0x80];
	_ =	sdelay $0x4  }
0x7b: {  	v56 =	vshll.u32 v3, $0x1  }
0x7c: {  	v3 =	vand.u32 $0x7, v3;
	v4 =	vand.u32 $0xFFFFFFF0, v56  }
0x7d: {  	v3 =	vor.u32 v3, v4  }
0x7e: {  	v4 =	vperm.xlane v3, v0;
	_ =	sdelay $0x1  }
0x7f: {  	v3 =	vperm.xlane v3, v2;
	v4 =	vadd.s32 v1, v4;
	_ =	sdelay $0x1  }
0x80: {  	v3 =	vadd.s32 v1, v3;
	_ =	sdelay $0x2  }
0x81: {  	[tilespmem:s25], [sflag:$0x2] =	stream.indirect_vreg.gather [hbm4b:s3+s2], $0x80, v4, vm0, $0xb8;
	[tilespmem:$0x1E400] =	vst v63  }
0x82: {  	_ = 	snop  }
0x83: {  	[tilespmem:s0], [sflag:$0x2] =	stream.indirect_vreg.gather [hbm4b:s3+s2], $0x80, v3, vm0, $0xb8;
	[tilespmem:$0x1E400] =	vst v63  }
0x84: {  	v3 =	vld [tilespmem:$0x90];
	_ =	sdelay $0x4  }
0x85: {  	v57 =	vshll.u32 v3, $0x1  }
0x86: {  	v3 =	vand.u32 $0x7, v3;
	v4 =	vand.u32 $0xFFFFFFF0, v57  }
0x87: {  	v3 =	vor.u32 v3, v4  }
0x88: {  	v4 =	vperm.xlane v3, v0;
	_ =	sdelay $0x1  }
0x89: {  	v3 =	vperm.xlane v3, v2;
	v4 =	vadd.s32 v1, v4;
	_ =	sdelay $0x1  }
0x8a: {  	v3 =	vadd.s32 v1, v3;
	_ =	sdelay $0x2  }
0x8b: {  	[tilespmem:s10], [sflag:$0x2] =	stream.indirect_vreg.gather [hbm4b:s3+s2], $0x80, v4, vm0, $0xb8;
	[tilespmem:$0x1E400] =	vst v63  }
0x8c: {  	_ = 	snop  }
0x8d: {  	[tilespmem:s11], [sflag:$0x2] =	stream.indirect_vreg.gather [hbm4b:s3+s2], $0x80, v3, vm0, $0xb8;
	[tilespmem:$0x1E400] =	vst v63  }
0x8e: {  	v3 =	vld [tilespmem:$0xA0];
	_ =	sdelay $0x4  }
0x8f: {  	v58 =	vshll.u32 v3, $0x1  }
0x90: {  	v3 =	vand.u32 $0x7, v3;
	v4 =	vand.u32 $0xFFFFFFF0, v58  }
0x91: {  	v3 =	vor.u32 v3, v4  }
0x92: {  	v4 =	vperm.xlane v3, v0;
	_ =	sdelay $0x1  }
0x93: {  	v3 =	vperm.xlane v3, v2;
	v4 =	vadd.s32 v1, v4;
	_ =	sdelay $0x1  }
0x94: {  	v3 =	vadd.s32 v1, v3;
	_ =	sdelay $0x2  }
0x95: {  	[tilespmem:s12], [sflag:$0x2] =	stream.indirect_vreg.gather [hbm4b:s3+s2], $0x80, v4, vm0, $0xb8;
	[tilespmem:$0x1E400] =	vst v63  }
0x96: {  	_ = 	snop  }
0x97: {  	[tilespmem:s31], [sflag:$0x2] =	stream.indirect_vreg.gather [hbm4b:s3+s2], $0x80, v3, vm0, $0xb8;
	[tilespmem:$0x1E400] =	vst v63  }
0x98: {  	v3 =	vld [tilespmem:$0xB0];
	_ =	sdelay $0x4  }
0x99: {  	v59 =	vshll.u32 v3, $0x1  }
0x9a: {  	v3 =	vand.u32 $0x7, v3;
	v4 =	vand.u32 $0xFFFFFFF0, v59  }
0x9b: {  	v3 =	vor.u32 v3, v4  }
0x9c: {  	v4 =	vperm.xlane v3, v0;
	_ =	sdelay $0x1  }
0x9d: {  	v3 =	vperm.xlane v3, v2;
	v4 =	vadd.s32 v1, v4;
	_ =	sdelay $0x1  }
0x9e: {  	v3 =	vadd.s32 v1, v3;
	_ =	sdelay $0x1  }
0x9f: {  	s19 =	simm.s32 $0x11400  }
0xa0: {  	[tilespmem:s19], [sflag:$0x2] =	stream.indirect_vreg.gather [hbm4b:s3+s2], $0x80, v4, vm0, $0xb8;
	[tilespmem:$0x1E400] =	vst v63  }
0xa1: {  	s20 =	simm.s32 $0x11C00  }
0xa2: {  	[tilespmem:s20], [sflag:$0x2] =	stream.indirect_vreg.gather [hbm4b:s3+s2], $0x80, v3, vm0, $0xb8;
	[tilespmem:$0x1E400] =	vst v63  }
0xa3: {  	v3 =	vld [tilespmem:$0xC0];
	_ =	sdelay $0x4  }
0xa4: {  	v60 =	vshll.u32 v3, $0x1  }
0xa5: {  	v3 =	vand.u32 $0x7, v3;
	v4 =	vand.u32 $0xFFFFFFF0, v60  }
0xa6: {  	v3 =	vor.u32 v3, v4  }
0xa7: {  	v4 =	vperm.xlane v3, v0;
	_ =	sdelay $0x1  }
0xa8: {  	v3 =	vperm.xlane v3, v2;
	v4 =	vadd.s32 v1, v4;
	_ =	sdelay $0x1  }
0xa9: {  	v3 =	vadd.s32 v1, v3;
	_ =	sdelay $0x1  }
0xaa: {  	s21 =	simm.s32 $0x12400  }
0xab: {  	[tilespmem:s21], [sflag:$0x2] =	stream.indirect_vreg.gather [hbm4b:s3+s2], $0x80, v4, vm0, $0xb8;
	[tilespmem:$0x1E400] =	vst v63  }
0xac: {  	s22 =	simm.s32 $0x12C00  }
0xad: {  	[tilespmem:s22], [sflag:$0x2] =	stream.indirect_vreg.gather [hbm4b:s3+s2], $0x80, v3, vm0, $0xb8;
	[tilespmem:$0x1E400] =	vst v63  }
0xae: {  	v3 =	vld [tilespmem:$0xD0];
	_ =	sdelay $0x4  }
0xaf: {  	v61 =	vshll.u32 v3, $0x1  }
0xb0: {  	v3 =	vand.u32 $0x7, v3;
	v4 =	vand.u32 $0xFFFFFFF0, v61  }
0xb1: {  	v3 =	vor.u32 v3, v4  }
0xb2: {  	v4 =	vperm.xlane v3, v0;
	_ =	sdelay $0x1  }
0xb3: {  	v3 =	vperm.xlane v3, v2;
	v4 =	vadd.s32 v1, v4;
	_ =	sdelay $0x1  }
0xb4: {  	v3 =	vadd.s32 v1, v3;
	_ =	sdelay $0x1  }
0xb5: {  	s23 =	simm.s32 $0x13400  }
0xb6: {  	[tilespmem:s23], [sflag:$0x2] =	stream.indirect_vreg.gather [hbm4b:s3+s2], $0x80, v4, vm0, $0xb8;
	[tilespmem:$0x1E400] =	vst v63  }
0xb7: {  	s24 =	simm.s32 $0x13C00  }
0xb8: {  	[tilespmem:s24], [sflag:$0x2] =	stream.indirect_vreg.gather [hbm4b:s3+s2], $0x80, v3, vm0, $0xb8;
	[tilespmem:$0x1E400] =	vst v63  }
0xb9: {  	v3 =	vld [tilespmem:$0xE0];
	_ =	sdelay $0x4  }
0xba: {  	v62 =	vshll.u32 v3, $0x1  }
0xbb: {  	v3 =	vand.u32 $0x7, v3;
	v4 =	vand.u32 $0xFFFFFFF0, v62  }
0xbc: {  	v3 =	vor.u32 v3, v4  }
0xbd: {  	v4 =	vperm.xlane v3, v0;
	_ =	sdelay $0x1  }
0xbe: {  	v3 =	vperm.xlane v3, v2;
	v4 =	vadd.s32 v1, v4;
	_ =	sdelay $0x1  }
0xbf: {  	v3 =	vadd.s32 v1, v3;
	_ =	sdelay $0x1  }
0xc0: {  	s26 =	simm.s32 $0x14400  }
0xc1: {  	[tilespmem:s26], [sflag:$0x2] =	stream.indirect_vreg.gather [hbm4b:s3+s2], $0x80, v4, vm0, $0xb8;
	[tilespmem:$0x1E400] =	vst v63  }
0xc2: {  	s29 =	simm.s32 $0x14C00  }
0xc3: {  	[tilespmem:s29], [sflag:$0x2] =	stream.indirect_vreg.gather [hbm4b:s3+s2], $0x80, v3, vm0, $0xb8;
	[tilespmem:$0x1E400] =	vst v63  }
0xc4: {  	v3 =	vld [tilespmem:$0xF0];
	_ =	sdelay $0x4  }
0xc5: {  	v63 =	vshll.u32 v3, $0x1  }
0xc6: {  	v3 =	vand.u32 $0x7, v3;
	v4 =	vand.u32 $0xFFFFFFF0, v63  }
0xc7: {  	v3 =	vor.u32 v3, v4  }
0xc8: {  	v4 =	vperm.xlane v3, v0;
	_ =	sdelay $0x1  }
0xc9: {  	s28 =	simm.s32 $0x8C00;
	s30 =	simm.s32 $0x9C00;
	s1 =	simm.s32 $0x15400;
	v3 =	vperm.xlane v3, v2;
	v4 =	vadd.s32 v1, v4  }
0xca: {  	s4 =	simm.s32 $0xBC00;
	s5 =	simm.s32 $0xC400;
	s6 =	simm.s32 $0xCC00  }
0xcb: {  	s7 =	simm.s32 $0xD400;
	s8 =	simm.s32 $0xDC00;
	s0 =	simm.s32 $0xAC00;
	v3 =	vadd.s32 v1, v3  }
0xcc: {  	s10 =	simm.s32 $0xEC00;
	s11 =	simm.s32 $0xF400;
	s12 =	simm.s32 $0xFC00  }
0xcd: {  	s31 =	simm.s32 $0x10C00;
	s19 =	simm.s32 $0x140;
	s20 =	simm.s32 $0x0  }
0xce: {  	[tilespmem:s1], [sflag:$0x2] =	stream.indirect_vreg.gather [hbm4b:s3+s2], $0x80, v4, vm0, $0xb8;
	[tilespmem:$0x1E400] =	vst v63  }
0xcf: {  	s23 =	simm.s32 $0x15C00;
	s24 =	simm.s32 $0x7C00;
	s26 =	simm.s32 $0x10400  }
0xd0: {  	[tilespmem:s23], [sflag:$0x2] =	stream.indirect_vreg.gather [hbm4b:s3+s2], $0x80, v3, vm0, $0xb8;
	[tilespmem:$0x1E400] =	vst v63  }
.LBB2_2:
0xd1: {  	p0 =	seq.s32 s20, $0x0  }
0xd2: {  	s21 =	simm.s32 @!p0 $0x6  }
0xd3: {  	_ =	swait.ge @!p0 [sflag:s21], $0x8000  }
0xd4: {  	[sflag:s21] =	ssyncset.done @!p0 $0x0  }
0xd5: {  	[sflag:s21] =	ssyncadd.s32 @!p0 $0xFFFF8000  }
0xd6: {  	v3 =	vld [tilespmem:s19+$0xFFFFFFC0];
	_ =	sdelay $0x4  }
0xd7: {  	v4 =	vshll.u32 v3, $0x1  }
0xd8: {  	v3 =	vand.u32 $0x7, v3;
	v4 =	vand.u32 $0xFFFFFFF0, v4  }
0xd9: {  	v3 =	vor.u32 v3, v4  }
0xda: {  	v4 =	vperm.xlane v3, v0;
	_ =	sdelay $0x1  }
0xdb: {  	v3 =	vperm.xlane v3, v2;
	v4 =	vadd.s32 v1, v4;
	_ =	sdelay $0x1  }
0xdc: {  	v3 =	vadd.s32 v1, v3;
	_ =	sdelay $0x2  }
0xdd: {  	[tilespmem:s13], [sflag:$0x3] =	stream.indirect_vreg.gather [hbm4b:s3+s2], $0x80, v4, vm0, $0xb8;
	[tilespmem:$0x1E400] =	vst v63  }
0xde: {  	s22 =	rddreg [dreg:$0x5]  }
0xdf: {  	[tilespmem:s22], [sflag:$0x3] =	stream.indirect_vreg.gather [hbm4b:s3+s2], $0x80, v3, vm0, $0xb8;
	[tilespmem:$0x1E400] =	vst v63  }
0xe0: {  	v3 =	vld [tilespmem:s19+$0xFFFFFFD0];
	_ =	sdelay $0x4  }
0xe1: {  	v41 =	vshll.u32 v3, $0x1  }
0xe2: {  	v3 =	vand.u32 $0x7, v3;
	v4 =	vand.u32 $0xFFFFFFF0, v41  }
0xe3: {  	v3 =	vor.u32 v3, v4  }
0xe4: {  	v4 =	vperm.xlane v3, v0;
	_ =	sdelay $0x1  }
0xe5: {  	v3 =	vperm.xlane v3, v2;
	v4 =	vadd.s32 v1, v4;
	_ =	sdelay $0x1  }
0xe6: {  	v3 =	vadd.s32 v1, v3;
	_ =	sdelay $0x1  }
0xe7: {  	s29 =	rddreg [dreg:$0x6]  }
0xe8: {  	[tilespmem:s29], [sflag:$0x3] =	stream.indirect_vreg.gather [hbm4b:s3+s2], $0x80, v4, vm0, $0xb8;
	[tilespmem:$0x1E400] =	vst v63  }
0xe9: {  	s22 =	rddreg [dreg:$0x7]  }
0xea: {  	[tilespmem:s22], [sflag:$0x3] =	stream.indirect_vreg.gather [hbm4b:s3+s2], $0x80, v3, vm0, $0xb8;
	[tilespmem:$0x1E400] =	vst v63  }
0xeb: {  	v3 =	vld [tilespmem:s19+$0xFFFFFFE0];
	_ =	sdelay $0x4  }
0xec: {  	v42 =	vshll.u32 v3, $0x1  }
0xed: {  	v3 =	vand.u32 $0x7, v3;
	v4 =	vand.u32 $0xFFFFFFF0, v42  }
0xee: {  	v3 =	vor.u32 v3, v4  }
0xef: {  	v4 =	vperm.xlane v3, v0;
	_ =	sdelay $0x1  }
0xf0: {  	v3 =	vperm.xlane v3, v2;
	v4 =	vadd.s32 v1, v4;
	_ =	sdelay $0x1  }
0xf1: {  	v3 =	vadd.s32 v1, v3;
	_ =	sdelay $0x1  }
0xf2: {  	s22 =	rddreg [dreg:$0x8]  }
0xf3: {  	[tilespmem:s22], [sflag:$0x3] =	stream.indirect_vreg.gather [hbm4b:s3+s2], $0x80, v4, vm0, $0xb8;
	[tilespmem:$0x1E400] =	vst v63  }
0xf4: {  	s29 =	rddreg [dreg:$0x9]  }
0xf5: {  	[tilespmem:s29], [sflag:$0x3] =	stream.indirect_vreg.gather [hbm4b:s3+s2], $0x80, v3, vm0, $0xb8;
	[tilespmem:$0x1E400] =	vst v63  }
0xf6: {  	v3 =	vld [tilespmem:s19+$0xFFFFFFF0];
	_ =	sdelay $0x4  }
0xf7: {  	v43 =	vshll.u32 v3, $0x1  }
0xf8: {  	v3 =	vand.u32 $0x7, v3;
	v4 =	vand.u32 $0xFFFFFFF0, v43  }
0xf9: {  	v3 =	vor.u32 v3, v4  }
0xfa: {  	v4 =	vperm.xlane v3, v0;
	_ =	sdelay $0x1  }
0xfb: {  	v3 =	vperm.xlane v3, v2;
	v4 =	vadd.s32 v1, v4;
	_ =	sdelay $0x1  }
0xfc: {  	v3 =	vadd.s32 v1, v3;
	_ =	sdelay $0x1  }
0xfd: {  	s22 =	rddreg [dreg:$0xa]  }
0xfe: {  	[tilespmem:s22], [sflag:$0x3] =	stream.indirect_vreg.gather [hbm4b:s3+s2], $0x80, v4, vm0, $0xb8;
	[tilespmem:$0x1E400] =	vst v63  }
0xff: {  	s29 =	rddreg [dreg:$0xb]  }
0x100: {  	[tilespmem:s29], [sflag:$0x3] =	stream.indirect_vreg.gather [hbm4b:s3+s2], $0x80, v3, vm0, $0xb8;
	[tilespmem:$0x1E400] =	vst v63  }
0x101: {  	v3 =	vld [tilespmem:s19+$0x0];
	_ =	sdelay $0x4  }
0x102: {  	v44 =	vshll.u32 v3, $0x1  }
0x103: {  	v3 =	vand.u32 $0x7, v3;
	v4 =	vand.u32 $0xFFFFFFF0, v44  }
0x104: {  	v3 =	vor.u32 v3, v4  }
0x105: {  	v4 =	vperm.xlane v3, v0;
	_ =	sdelay $0x1  }
0x106: {  	v3 =	vperm.xlane v3, v2;
	v4 =	vadd.s32 v1, v4;
	_ =	sdelay $0x1  }
0x107: {  	v3 =	vadd.s32 v1, v3;
	_ =	sdelay $0x1  }
0x108: {  	s22 =	rddreg [dreg:$0xc]  }
0x109: {  	[tilespmem:s22], [sflag:$0x3] =	stream.indirect_vreg.gather [hbm4b:s3+s2], $0x80, v4, vm0, $0xb8;
	[tilespmem:$0x1E400] =	vst v63  }
0x10a: {  	s29 =	rddreg [dreg:$0xd]  }
0x10b: {  	[tilespmem:s29], [sflag:$0x3] =	stream.indirect_vreg.gather [hbm4b:s3+s2], $0x80, v3, vm0, $0xb8;
	[tilespmem:$0x1E400] =	vst v63  }
0x10c: {  	v3 =	vld [tilespmem:s19+$0x10];
	_ =	sdelay $0x4  }
0x10d: {  	v45 =	vshll.u32 v3, $0x1  }
0x10e: {  	v3 =	vand.u32 $0x7, v3;
	v4 =	vand.u32 $0xFFFFFFF0, v45  }
0x10f: {  	v3 =	vor.u32 v3, v4  }
0x110: {  	v4 =	vperm.xlane v3, v0;
	_ =	sdelay $0x1  }
0x111: {  	v3 =	vperm.xlane v3, v2;
	v4 =	vadd.s32 v1, v4;
	_ =	sdelay $0x1  }
0x112: {  	v3 =	vadd.s32 v1, v3;
	_ =	sdelay $0x1  }
0x113: {  	s22 =	rddreg [dreg:$0xe]  }
0x114: {  	[tilespmem:s22], [sflag:$0x3] =	stream.indirect_vreg.gather [hbm4b:s3+s2], $0x80, v4, vm0, $0xb8;
	[tilespmem:$0x1E400] =	vst v63  }
0x115: {  	s29 =	rddreg [dreg:$0xf]  }
0x116: {  	[tilespmem:s29], [sflag:$0x3] =	stream.indirect_vreg.gather [hbm4b:s3+s2], $0x80, v3, vm0, $0xb8;
	[tilespmem:$0x1E400] =	vst v63  }
0x117: {  	v3 =	vld [tilespmem:s19+$0x20];
	_ =	sdelay $0x4  }
0x118: {  	v46 =	vshll.u32 v3, $0x1  }
0x119: {  	v3 =	vand.u32 $0x7, v3;
	v4 =	vand.u32 $0xFFFFFFF0, v46  }
0x11a: {  	v3 =	vor.u32 v3, v4  }
0x11b: {  	v4 =	vperm.xlane v3, v0;
	_ =	sdelay $0x1  }
0x11c: {  	v3 =	vperm.xlane v3, v2;
	v4 =	vadd.s32 v1, v4;
	_ =	sdelay $0x1  }
0x11d: {  	v3 =	vadd.s32 v1, v3;
	_ =	sdelay $0x1  }
0x11e: {  	s22 =	rddreg [dreg:$0x10]  }
0x11f: {  	[tilespmem:s22], [sflag:$0x3] =	stream.indirect_vreg.gather [hbm4b:s3+s2], $0x80, v4, vm0, $0xb8;
	[tilespmem:$0x1E400] =	vst v63  }
0x120: {  	s29 =	rddreg [dreg:$0x11]  }
0x121: {  	[tilespmem:s29], [sflag:$0x3] =	stream.indirect_vreg.gather [hbm4b:s3+s2], $0x80, v3, vm0, $0xb8;
	[tilespmem:$0x1E400] =	vst v63  }
0x122: {  	v3 =	vld [tilespmem:s19+$0x30];
	_ =	sdelay $0x4  }
0x123: {  	v47 =	vshll.u32 v3, $0x1  }
0x124: {  	v3 =	vand.u32 $0x7, v3;
	v4 =	vand.u32 $0xFFFFFFF0, v47  }
0x125: {  	v3 =	vor.u32 v3, v4  }
0x126: {  	v4 =	vperm.xlane v3, v0;
	_ =	sdelay $0x1  }
0x127: {  	v3 =	vperm.xlane v3, v2;
	v4 =	vadd.s32 v1, v4;
	_ =	sdelay $0x1  }
0x128: {  	v3 =	vadd.s32 v1, v3;
	_ =	sdelay $0x1  }
0x129: {  	s22 =	rddreg [dreg:$0x12]  }
0x12a: {  	[tilespmem:s22], [sflag:$0x3] =	stream.indirect_vreg.gather [hbm4b:s3+s2], $0x80, v4, vm0, $0xb8;
	[tilespmem:$0x1E400] =	vst v63  }
0x12b: {  	s29 =	rddreg [dreg:$0x13]  }
0x12c: {  	[tilespmem:s29], [sflag:$0x3] =	stream.indirect_vreg.gather [hbm4b:s3+s2], $0x80, v3, vm0, $0xb8;
	[tilespmem:$0x1E400] =	vst v63  }
0x12d: {  	_ =	swait.ge [sflag:s14], $0x8000  }
0x12e: {  	s29 =	rddreg [dreg:$0x3];
	[sflag:s14] =	ssyncset.done $0x0  }
0x12f: {  	[sflag:s14] =	ssyncadd.s32 $0xFFFF8000;
	s21 =	sadd.s32 s20, s29  }
0x130: {  	[hbm4b:s21+s2] =	stream.linear.scatter [tilespmem:s9], [sflag:$0x4], $0x8000, $0x38;
	[tilespmem:$0x1E400] =	vst v63  }
0x131: {  	_ =	swait.ge [sflag:s15], $0x8000  }
0x132: {  	[sflag:s15] =	ssyncset.done $0x0  }
0x133: {  	[sflag:s15] =	ssyncadd.s32 $0xFFFF8000  }
0x134: {  	v3 =	vld [tilespmem:s19+$0x40];
	_ =	sdelay $0x4  }
0x135: {  	v48 =	vshll.u32 v3, $0x1  }
0x136: {  	v3 =	vand.u32 $0x7, v3;
	v4 =	vand.u32 $0xFFFFFFF0, v48  }
0x137: {  	v3 =	vor.u32 v3, v4  }
0x138: {  	v4 =	vperm.xlane v3, v0;
	_ =	sdelay $0x1  }
0x139: {  	v3 =	vperm.xlane v3, v2;
	v4 =	vadd.s32 v1, v4;
	_ =	sdelay $0x1  }
0x13a: {  	v3 =	vadd.s32 v1, v3;
	_ =	sdelay $0x2  }
0x13b: {  	[tilespmem:s9], [sflag:$0x1] =	stream.indirect_vreg.gather [hbm4b:s3+s2], $0x80, v4, vm0, $0xb8;
	[tilespmem:$0x1E400] =	vst v63  }
0x13c: {  	s22 =	simm.s32 $0x6C00  }
0x13d: {  	[tilespmem:s22], [sflag:$0x1] =	stream.indirect_vreg.gather [hbm4b:s3+s2], $0x80, v3, vm0, $0xb8;
	[tilespmem:$0x1E400] =	vst v63  }
0x13e: {  	v3 =	vld [tilespmem:s19+$0x50];
	_ =	sdelay $0x4  }
0x13f: {  	v49 =	vshll.u32 v3, $0x1  }
0x140: {  	v3 =	vand.u32 $0x7, v3;
	v4 =	vand.u32 $0xFFFFFFF0, v49  }
0x141: {  	v3 =	vor.u32 v3, v4  }
0x142: {  	v4 =	vperm.xlane v3, v0;
	_ =	sdelay $0x1  }
0x143: {  	v3 =	vperm.xlane v3, v2;
	v4 =	vadd.s32 v1, v4;
	_ =	sdelay $0x1  }
0x144: {  	v3 =	vadd.s32 v1, v3;
	_ =	sdelay $0x1  }
0x145: {  	s29 =	simm.s32 $0x7400  }
0x146: {  	[tilespmem:s29], [sflag:$0x1] =	stream.indirect_vreg.gather [hbm4b:s3+s2], $0x80, v4, vm0, $0xb8;
	[tilespmem:$0x1E400] =	vst v63  }
0x147: {  	_ = 	snop  }
0x148: {  	[tilespmem:s24], [sflag:$0x1] =	stream.indirect_vreg.gather [hbm4b:s3+s2], $0x80, v3, vm0, $0xb8;
	[tilespmem:$0x1E400] =	vst v63  }
0x149: {  	v3 =	vld [tilespmem:s19+$0x60];
	_ =	sdelay $0x4  }
0x14a: {  	v50 =	vshll.u32 v3, $0x1  }
0x14b: {  	v3 =	vand.u32 $0x7, v3;
	v4 =	vand.u32 $0xFFFFFFF0, v50  }
0x14c: {  	v3 =	vor.u32 v3, v4  }
0x14d: {  	v4 =	vperm.xlane v3, v0;
	_ =	sdelay $0x1  }
0x14e: {  	v3 =	vperm.xlane v3, v2;
	v4 =	vadd.s32 v1, v4;
	_ =	sdelay $0x1  }
0x14f: {  	v3 =	vadd.s32 v1, v3;
	_ =	sdelay $0x1  }
0x150: {  	s29 =	simm.s32 $0x8400  }
0x151: {  	[tilespmem:s29], [sflag:$0x1] =	stream.indirect_vreg.gather [hbm4b:s3+s2], $0x80, v4, vm0, $0xb8;
	[tilespmem:$0x1E400] =	vst v63  }
0x152: {  	_ = 	snop  }
0x153: {  	[tilespmem:s28], [sflag:$0x1] =	stream.indirect_vreg.gather [hbm4b:s3+s2], $0x80, v3, vm0, $0xb8;
	[tilespmem:$0x1E400] =	vst v63  }
0x154: {  	v3 =	vld [tilespmem:s19+$0x70];
	_ =	sdelay $0x4  }
0x155: {  	v51 =	vshll.u32 v3, $0x1  }
0x156: {  	v3 =	vand.u32 $0x7, v3;
	v4 =	vand.u32 $0xFFFFFFF0, v51  }
0x157: {  	v3 =	vor.u32 v3, v4  }
0x158: {  	v4 =	vperm.xlane v3, v0;
	_ =	sdelay $0x1  }
0x159: {  	v3 =	vperm.xlane v3, v2;
	v4 =	vadd.s32 v1, v4;
	_ =	sdelay $0x1  }
0x15a: {  	v3 =	vadd.s32 v1, v3;
	_ =	sdelay $0x1  }
0x15b: {  	s29 =	simm.s32 $0x9400  }
0x15c: {  	[tilespmem:s29], [sflag:$0x1] =	stream.indirect_vreg.gather [hbm4b:s3+s2], $0x80, v4, vm0, $0xb8;
	[tilespmem:$0x1E400] =	vst v63  }
0x15d: {  	_ = 	snop  }
0x15e: {  	[tilespmem:s30], [sflag:$0x1] =	stream.indirect_vreg.gather [hbm4b:s3+s2], $0x80, v3, vm0, $0xb8;
	[tilespmem:$0x1E400] =	vst v63  }
0x15f: {  	v3 =	vld [tilespmem:s19+$0x80];
	_ =	sdelay $0x4  }
0x160: {  	v52 =	vshll.u32 v3, $0x1  }
0x161: {  	v3 =	vand.u32 $0x7, v3;
	v4 =	vand.u32 $0xFFFFFFF0, v52  }
0x162: {  	v3 =	vor.u32 v3, v4  }
0x163: {  	v4 =	vperm.xlane v3, v0;
	_ =	sdelay $0x1  }
0x164: {  	v3 =	vperm.xlane v3, v2;
	v4 =	vadd.s32 v1, v4;
	_ =	sdelay $0x1  }
0x165: {  	v3 =	vadd.s32 v1, v3;
	_ =	sdelay $0x1  }
0x166: {  	s29 =	simm.s32 $0xA400  }
0x167: {  	[tilespmem:s29], [sflag:$0x1] =	stream.indirect_vreg.gather [hbm4b:s3+s2], $0x80, v4, vm0, $0xb8;
	[tilespmem:$0x1E400] =	vst v63  }
0x168: {  	_ = 	snop  }
0x169: {  	[tilespmem:s0], [sflag:$0x1] =	stream.indirect_vreg.gather [hbm4b:s3+s2], $0x80, v3, vm0, $0xb8;
	[tilespmem:$0x1E400] =	vst v63  }
0x16a: {  	v3 =	vld [tilespmem:s19+$0x90];
	_ =	sdelay $0x4  }
0x16b: {  	v53 =	vshll.u32 v3, $0x1  }
0x16c: {  	v3 =	vand.u32 $0x7, v3;
	v4 =	vand.u32 $0xFFFFFFF0, v53  }
0x16d: {  	v3 =	vor.u32 v3, v4  }
0x16e: {  	v4 =	vperm.xlane v3, v0;
	_ =	sdelay $0x1  }
0x16f: {  	v3 =	vperm.xlane v3, v2;
	v4 =	vadd.s32 v1, v4;
	_ =	sdelay $0x1  }
0x170: {  	v3 =	vadd.s32 v1, v3;
	_ =	sdelay $0x1  }
0x171: {  	s29 =	simm.s32 $0xB400  }
0x172: {  	[tilespmem:s29], [sflag:$0x1] =	stream.indirect_vreg.gather [hbm4b:s3+s2], $0x80, v4, vm0, $0xb8;
	[tilespmem:$0x1E400] =	vst v63  }
0x173: {  	_ = 	snop  }
0x174: {  	[tilespmem:s4], [sflag:$0x1] =	stream.indirect_vreg.gather [hbm4b:s3+s2], $0x80, v3, vm0, $0xb8;
	[tilespmem:$0x1E400] =	vst v63  }
0x175: {  	v3 =	vld [tilespmem:s19+$0xA0];
	_ =	sdelay $0x4  }
0x176: {  	v54 =	vshll.u32 v3, $0x1  }
0x177: {  	v3 =	vand.u32 $0x7, v3;
	v4 =	vand.u32 $0xFFFFFFF0, v54  }
0x178: {  	v3 =	vor.u32 v3, v4  }
0x179: {  	v4 =	vperm.xlane v3, v0;
	_ =	sdelay $0x1  }
0x17a: {  	v3 =	vperm.xlane v3, v2;
	v4 =	vadd.s32 v1, v4;
	_ =	sdelay $0x1  }
0x17b: {  	v3 =	vadd.s32 v1, v3;
	_ =	sdelay $0x2  }
0x17c: {  	[tilespmem:s5], [sflag:$0x1] =	stream.indirect_vreg.gather [hbm4b:s3+s2], $0x80, v4, vm0, $0xb8;
	[tilespmem:$0x1E400] =	vst v63  }
0x17d: {  	_ = 	snop  }
0x17e: {  	[tilespmem:s6], [sflag:$0x1] =	stream.indirect_vreg.gather [hbm4b:s3+s2], $0x80, v3, vm0, $0xb8;
	[tilespmem:$0x1E400] =	vst v63  }
0x17f: {  	v3 =	vld [tilespmem:s19+$0xB0];
	_ =	sdelay $0x4  }
0x180: {  	v55 =	vshll.u32 v3, $0x1  }
0x181: {  	v3 =	vand.u32 $0x7, v3;
	v4 =	vand.u32 $0xFFFFFFF0, v55  }
0x182: {  	v3 =	vor.u32 v3, v4  }
0x183: {  	v4 =	vperm.xlane v3, v0;
	_ =	sdelay $0x1  }
0x184: {  	v3 =	vperm.xlane v3, v2;
	v4 =	vadd.s32 v1, v4;
	_ =	sdelay $0x1  }
0x185: {  	v3 =	vadd.s32 v1, v3;
	_ =	sdelay $0x2  }
0x186: {  	[tilespmem:s7], [sflag:$0x1] =	stream.indirect_vreg.gather [hbm4b:s3+s2], $0x80, v4, vm0, $0xb8;
	[tilespmem:$0x1E400] =	vst v63  }
0x187: {  	_ = 	snop  }
0x188: {  	[tilespmem:s8], [sflag:$0x1] =	stream.indirect_vreg.gather [hbm4b:s3+s2], $0x80, v3, vm0, $0xb8;
	[tilespmem:$0x1E400] =	vst v63  }
0x189: {  	_ =	swait.ge [sflag:s16], $0x8000  }
0x18a: {  	[sflag:s16] =	ssyncset.done $0x0  }
0x18b: {  	s21 =	sadd.s32 $0x1000, s21;
	[sflag:s16] =	ssyncadd.s32 $0xFFFF8000  }
0x18c: {  	[hbm4b:s21+s2] =	stream.linear.scatter [tilespmem:s25], [sflag:$0x5], $0x8000, $0x38;
	[tilespmem:$0x1E400] =	vst v63  }
0x18d: {  	_ =	swait.ge [sflag:s17], $0x8000  }
0x18e: {  	[sflag:s17] =	ssyncset.done $0x0  }
0x18f: {  	[sflag:s17] =	ssyncadd.s32 $0xFFFF8000  }
0x190: {  	v3 =	vld [tilespmem:s19+$0xC0];
	_ =	sdelay $0x4  }
0x191: {  	v56 =	vshll.u32 v3, $0x1  }
0x192: {  	v3 =	vand.u32 $0x7, v3;
	v4 =	vand.u32 $0xFFFFFFF0, v56  }
0x193: {  	v3 =	vor.u32 v3, v4  }
0x194: {  	v4 =	vperm.xlane v3, v0;
	_ =	sdelay $0x1  }
0x195: {  	v3 =	vperm.xlane v3, v2;
	v4 =	vadd.s32 v1, v4;
	_ =	sdelay $0x1  }
0x196: {  	v3 =	vadd.s32 v1, v3;
	_ =	sdelay $0x2  }
0x197: {  	[tilespmem:s25], [sflag:$0x2] =	stream.indirect_vreg.gather [hbm4b:s3+s2], $0x80, v4, vm0, $0xb8;
	[tilespmem:$0x1E400] =	vst v63  }
0x198: {  	_ = 	snop  }
0x199: {  	[tilespmem:s10], [sflag:$0x2] =	stream.indirect_vreg.gather [hbm4b:s3+s2], $0x80, v3, vm0, $0xb8;
	[tilespmem:$0x1E400] =	vst v63  }
0x19a: {  	v3 =	vld [tilespmem:s19+$0xD0];
	_ =	sdelay $0x4  }
0x19b: {  	v57 =	vshll.u32 v3, $0x1  }
0x19c: {  	v3 =	vand.u32 $0x7, v3;
	v4 =	vand.u32 $0xFFFFFFF0, v57  }
0x19d: {  	v3 =	vor.u32 v3, v4  }
0x19e: {  	v4 =	vperm.xlane v3, v0;
	_ =	sdelay $0x1  }
0x19f: {  	v3 =	vperm.xlane v3, v2;
	v4 =	vadd.s32 v1, v4;
	_ =	sdelay $0x1  }
0x1a0: {  	v3 =	vadd.s32 v1, v3;
	_ =	sdelay $0x2  }
0x1a1: {  	[tilespmem:s11], [sflag:$0x2] =	stream.indirect_vreg.gather [hbm4b:s3+s2], $0x80, v4, vm0, $0xb8;
	[tilespmem:$0x1E400] =	vst v63  }
0x1a2: {  	_ = 	snop  }
0x1a3: {  	[tilespmem:s12], [sflag:$0x2] =	stream.indirect_vreg.gather [hbm4b:s3+s2], $0x80, v3, vm0, $0xb8;
	[tilespmem:$0x1E400] =	vst v63  }
0x1a4: {  	v3 =	vld [tilespmem:s19+$0xE0];
	_ =	sdelay $0x4  }
0x1a5: {  	v58 =	vshll.u32 v3, $0x1  }
0x1a6: {  	v3 =	vand.u32 $0x7, v3;
	v4 =	vand.u32 $0xFFFFFFF0, v58  }
0x1a7: {  	v3 =	vor.u32 v3, v4  }
0x1a8: {  	v4 =	vperm.xlane v3, v0;
	_ =	sdelay $0x1  }
0x1a9: {  	v3 =	vperm.xlane v3, v2;
	v4 =	vadd.s32 v1, v4;
	_ =	sdelay $0x1  }
0x1aa: {  	v3 =	vadd.s32 v1, v3;
	_ =	sdelay $0x2  }
0x1ab: {  	[tilespmem:s26], [sflag:$0x2] =	stream.indirect_vreg.gather [hbm4b:s3+s2], $0x80, v4, vm0, $0xb8;
	[tilespmem:$0x1E400] =	vst v63  }
0x1ac: {  	_ = 	snop  }
0x1ad: {  	[tilespmem:s31], [sflag:$0x2] =	stream.indirect_vreg.gather [hbm4b:s3+s2], $0x80, v3, vm0, $0xb8;
	[tilespmem:$0x1E400] =	vst v63  }
0x1ae: {  	v3 =	vld [tilespmem:s19+$0xF0];
	_ =	sdelay $0x4  }
0x1af: {  	v59 =	vshll.u32 v3, $0x1  }
0x1b0: {  	v3 =	vand.u32 $0x7, v3;
	v4 =	vand.u32 $0xFFFFFFF0, v59  }
0x1b1: {  	v3 =	vor.u32 v3, v4  }
0x1b2: {  	v4 =	vperm.xlane v3, v0;
	_ =	sdelay $0x1  }
0x1b3: {  	v3 =	vperm.xlane v3, v2;
	v4 =	vadd.s32 v1, v4;
	_ =	sdelay $0x1  }
0x1b4: {  	v3 =	vadd.s32 v1, v3;
	_ =	sdelay $0x1  }
0x1b5: {  	s29 =	simm.s32 $0x11400  }
0x1b6: {  	[tilespmem:s29], [sflag:$0x2] =	stream.indirect_vreg.gather [hbm4b:s3+s2], $0x80, v4, vm0, $0xb8;
	[tilespmem:$0x1E400] =	vst v63  }
0x1b7: {  	s29 =	simm.s32 $0x11C00  }
0x1b8: {  	[tilespmem:s29], [sflag:$0x2] =	stream.indirect_vreg.gather [hbm4b:s3+s2], $0x80, v3, vm0, $0xb8;
	[tilespmem:$0x1E400] =	vst v63  }
0x1b9: {  	v3 =	vld [tilespmem:s19+$0x100];
	_ =	sdelay $0x4  }
0x1ba: {  	v60 =	vshll.u32 v3, $0x1  }
0x1bb: {  	v3 =	vand.u32 $0x7, v3;
	v4 =	vand.u32 $0xFFFFFFF0, v60  }
0x1bc: {  	v3 =	vor.u32 v3, v4  }
0x1bd: {  	v4 =	vperm.xlane v3, v0;
	_ =	sdelay $0x1  }
0x1be: {  	v3 =	vperm.xlane v3, v2;
	v4 =	vadd.s32 v1, v4;
	_ =	sdelay $0x1  }
0x1bf: {  	v3 =	vadd.s32 v1, v3;
	_ =	sdelay $0x1  }
0x1c0: {  	s29 =	simm.s32 $0x12400  }
0x1c1: {  	[tilespmem:s29], [sflag:$0x2] =	stream.indirect_vreg.gather [hbm4b:s3+s2], $0x80, v4, vm0, $0xb8;
	[tilespmem:$0x1E400] =	vst v63  }
0x1c2: {  	s29 =	simm.s32 $0x12C00  }
0x1c3: {  	[tilespmem:s29], [sflag:$0x2] =	stream.indirect_vreg.gather [hbm4b:s3+s2], $0x80, v3, vm0, $0xb8;
	[tilespmem:$0x1E400] =	vst v63  }
0x1c4: {  	v3 =	vld [tilespmem:s19+$0x110];
	_ =	sdelay $0x4  }
0x1c5: {  	v61 =	vshll.u32 v3, $0x1  }
0x1c6: {  	v3 =	vand.u32 $0x7, v3;
	v4 =	vand.u32 $0xFFFFFFF0, v61  }
0x1c7: {  	v3 =	vor.u32 v3, v4  }
0x1c8: {  	v4 =	vperm.xlane v3, v0;
	_ =	sdelay $0x1  }
0x1c9: {  	v3 =	vperm.xlane v3, v2;
	v4 =	vadd.s32 v1, v4;
	_ =	sdelay $0x1  }
0x1ca: {  	v3 =	vadd.s32 v1, v3;
	_ =	sdelay $0x1  }
0x1cb: {  	s29 =	simm.s32 $0x13400  }
0x1cc: {  	[tilespmem:s29], [sflag:$0x2] =	stream.indirect_vreg.gather [hbm4b:s3+s2], $0x80, v4, vm0, $0xb8;
	[tilespmem:$0x1E400] =	vst v63  }
0x1cd: {  	s29 =	simm.s32 $0x13C00  }
0x1ce: {  	[tilespmem:s29], [sflag:$0x2] =	stream.indirect_vreg.gather [hbm4b:s3+s2], $0x80, v3, vm0, $0xb8;
	[tilespmem:$0x1E400] =	vst v63  }
0x1cf: {  	v3 =	vld [tilespmem:s19+$0x120];
	_ =	sdelay $0x4  }
0x1d0: {  	v62 =	vshll.u32 v3, $0x1  }
0x1d1: {  	v3 =	vand.u32 $0x7, v3;
	v4 =	vand.u32 $0xFFFFFFF0, v62  }
0x1d2: {  	v3 =	vor.u32 v3, v4  }
0x1d3: {  	v4 =	vperm.xlane v3, v0;
	_ =	sdelay $0x1  }
0x1d4: {  	v3 =	vperm.xlane v3, v2;
	v4 =	vadd.s32 v1, v4;
	_ =	sdelay $0x1  }
0x1d5: {  	v3 =	vadd.s32 v1, v3;
	_ =	sdelay $0x1  }
0x1d6: {  	s29 =	simm.s32 $0x14400  }
0x1d7: {  	[tilespmem:s29], [sflag:$0x2] =	stream.indirect_vreg.gather [hbm4b:s3+s2], $0x80, v4, vm0, $0xb8;
	[tilespmem:$0x1E400] =	vst v63  }
0x1d8: {  	s29 =	simm.s32 $0x14C00  }
0x1d9: {  	[tilespmem:s29], [sflag:$0x2] =	stream.indirect_vreg.gather [hbm4b:s3+s2], $0x80, v3, vm0, $0xb8;
	[tilespmem:$0x1E400] =	vst v63  }
0x1da: {  	v3 =	vld [tilespmem:s19+$0x130];
	_ =	sdelay $0x4  }
0x1db: {  	v63 =	vshll.u32 v3, $0x1  }
0x1dc: {  	v3 =	vand.u32 $0x7, v3;
	v4 =	vand.u32 $0xFFFFFFF0, v63  }
0x1dd: {  	v3 =	vor.u32 v3, v4  }
0x1de: {  	v4 =	vperm.xlane v3, v0;
	_ =	sdelay $0x1  }
0x1df: {  	v3 =	vperm.xlane v3, v2;
	v4 =	vadd.s32 v1, v4;
	_ =	sdelay $0x1  }
0x1e0: {  	v3 =	vadd.s32 v1, v3;
	_ =	sdelay $0x2  }
0x1e1: {  	[tilespmem:s1], [sflag:$0x2] =	stream.indirect_vreg.gather [hbm4b:s3+s2], $0x80, v4, vm0, $0xb8;
	[tilespmem:$0x1E400] =	vst v63  }
0x1e2: {  	_ = 	snop  }
0x1e3: {  	[tilespmem:s23], [sflag:$0x2] =	stream.indirect_vreg.gather [hbm4b:s3+s2], $0x80, v3, vm0, $0xb8;
	[tilespmem:$0x1E400] =	vst v63  }
0x1e4: {  	_ =	swait.ge [sflag:s18], $0x8000  }
0x1e5: {  	s29 =	rddreg [dreg:$0x4]  }
0x1e6: {  	s21 =	sadd.s32 s20, s29;
	s20 =	sadd.s32 $0x3000, s20  }
0x1e7: {  	p0 =	sne.s32 s20, $0xC6000  }
.Ltmp0:
0x1e8: {  	_ = 	snop;
	(pc) =	sbr.rel @p0 .LBB2_2-.Ltmp0, $4  }
0x1e9: {  	_ = 	snop  }
0x1ea: {  	[sflag:s18] =	ssyncset.done $0x0  }
0x1eb: {  	s19 =	sadd.s32 $0x180, s19;
	[sflag:s18] =	ssyncadd.s32 $0xFFFF8000  }
0x1ec: {  	[hbm4b:s21+s2] =	stream.linear.scatter [tilespmem:s13], [sflag:$0x6], $0x8000, $0x38;
	[tilespmem:$0x1E400] =	vst v63  }
0x1ed: {  	s0 =	simm.s32 $0x6  }
0x1ee: {  	_ =	swait.ge [sflag:s0], $0x8000  }
0x1ef: {  	[sflag:s0] =	ssyncset.done $0x0  }
0x1f0: {  	[sflag:s0] =	ssyncadd.s32 $0xFFFF8000  }
0x1f1: {  	_ =	swait.ge [sflag:s14], $0x8000  }
0x1f2: {  	[sflag:s14] =	ssyncset.done $0x0  }
0x1f3: {  	s19 =	rddreg [dreg:$0x15];
	[sflag:s14] =	ssyncadd.s32 $0xFFFF8000  }
0x1f4: {  	[hbm4b:s19+s2] =	stream.linear.scatter [tilespmem:s9], [sflag:$0x4], $0x8000, $0x38;
	[tilespmem:$0x1E400] =	vst v63  }
0x1f5: {  	_ =	swait.ge [sflag:s15], $0x8000  }
0x1f6: {  	[sflag:s15] =	ssyncset.done $0x0  }
0x1f7: {  	[sflag:s15] =	ssyncadd.s32 $0xFFFF8000  }
0x1f8: {  	_ =	swait.ge [sflag:s16], $0x8000  }
0x1f9: {  	[sflag:s16] =	ssyncset.done $0x0  }
0x1fa: {  	s20 =	simm.s32 $0x7400;
	s23 =	rddreg [dreg:$0x16];
	[sflag:s16] =	ssyncadd.s32 $0xFFFF8000  }
0x1fb: {  	[hbm4b:s23+s2] =	stream.linear.scatter [tilespmem:s25], [sflag:$0x5], $0x8000, $0x38;
	[tilespmem:$0x1E400] =	vst v63  }
0x1fc: {  	s21 =	simm.s32 $0x7C00;
	s28 =	simm.s32 $0x9C00;
	_ =	swait.ge [sflag:s17], $0x8000  }
0x1fd: {  	s29 =	simm.s32 $0xA400;
	s30 =	simm.s32 $0xAC00;
	s24 =	rddreg [dreg:$0x18]  }
0x1fe: {  	s1 =	simm.s32 $0xB400;
	s26 =	rddreg [dreg:$0x17];
	s0 =	sadd.s32 $0x1, s24  }
0x1ff: {  	s4 =	simm.s32 $0xBC00;
	s5 =	simm.s32 $0xC400;
	p0 =	sne.s32 s0, s26  }
.Ltmp1:
0x200: {  	s6 =	simm.s32 $0xCC00;
	s7 =	simm.s32 $0xD400;
	(pc) =	sbr.rel @p0 .LBB2_1-.Ltmp1, $4  }
0x201: {  	s8 =	simm.s32 $0xDC00;
	s10 =	simm.s32 $0xF400;
	s11 =	simm.s32 $0xFC00  }
0x202: {  	s12 =	simm.s32 $0x10400;
	s31 =	simm.s32 $0x10C00;
	[sflag:s17] =	ssyncset.done $0x0  }
0x203: {  	s23 =	simm.s32 $0x8400;
	[sflag:s17] =	ssyncadd.s32 $0xFFFF8000;
	s24 =	simm.s32 $0x8C00  }
0x204: {  	[dreg:$0x18] =	wrdreg s0;
	s26 =	simm.s32 $0x9400;
	s0 =	simm.s32 $0xEC00  }
0x205: {  	_ =	sfence.sel $0x180000  }
0x206: {  	[bflag:$0x0] =	sbarrier.arrive $0xFFFF  }
0x207: {  	_ =	strace $0x90000047  }
0x208: {  	s0 =	stileid.u32;
	[bflag:$0x2] =	sbarrier.arrive $0xFFFF  }
0x209: {  	p0 =	sne.s32 s0, $0x0;
	s0 =	rddreg [dreg:$0x2]  }
0x20a: {  	s0 =	sadd.s32 @!p0 $0x100000, s0  }
0x20b: {  	[sflag:s0] =	ssyncadd.tile.s32 @!p0 $0x1;
	_ =	shalt  }
.Lfunc_end2:
_tile_overlayer_lowered:
.L_overlay_start_2:
0x20c: {  	(tag) =	ssettag $0x2  }
0x20d: {  	s0 =	rddreg [dreg:$0x0];
	s2 =	stileid.u32  }
0x20e: {  	s1 =	rddreg [dreg:$0x1];
	p0 =	sne.s32 s2, $0x0  }
0x20f: {  	s3 =	rddreg [dreg:$0x2];
	[bflag:$0x3] =	sbarrier.arrive $0xFFFF;
	s2 =	simm.s32 @!p0 $0x1C07  }
0x210: {  	[timem:s3], [sflag:s2] =	dma.local @!p0 [hbm:s0], s1  }
0x211: {  	s0 =	simm.s32 @!p0 $0x7  }
0x212: {  	_ =	swait.ge @!p0 [sflag:s0], s1  }
0x213: {  	s1 =	ssub.s32 @!p0 $0x0, s1;
	[sflag:s0] =	ssyncset.done @!p0 $0x0  }
0x214: {  	[sflag:s0] =	ssyncadd.s32 @!p0 s1  }
0x215: {  	[bflag:$0x3] =	sbarrier.arrive $0xFFFF  }
0x216: {  	_ =	shalt  }

</sc_bundles>
